<compile_context>
chip_gen: v7x
topology: tpu7x:2x2x1
jax: 0.10.2.dev20260603
libtpu: 0.0.44.dev20260713+nightly
codegen_flags: <defaults>
</compile_context>

<pallas_src>
import functools

import jax
import jax.numpy as jnp
from jax import lax
from jax.experimental import pallas as pl
from jax.experimental.pallas import tpu as pltpu
from jax.experimental.pallas import tpu_sc as plsc

B, L, K, D = 8, 1024, 16, 128
R = 256
BH = B

NC, NS = 2, 16
NW = NC * NS
IDX_COLS = 128
TOTAL_H = BH * L * K
IDX_ROWS_H = TOTAL_H // IDX_COLS
ROWS_PER_W = IDX_ROWS_H // NW


def _make_topk_body(b0):
    def _topk_body(ci_ref, ctT_ref, ctr8_ref, ax_ref, coords_ref, nbr_ref,
                   d_ref, nc_ref):
        b = pl.program_id(0)
        cxj = ctT_ref[0:1, :]
        cyj = ctT_ref[1:2, :]
        czj = ctT_ref[2:3, :]
        cxi = ci_ref[:, 0:1]
        cyi = ci_ref[:, 1:2]
        czi = ci_ref[:, 2:3]
        d0 = (cxi - cxj) ** 2
        d1 = (cyi - cyj) ** 2
        d2 = (czi - czj) ** 2
        d_ref[...] = d0 + d1 + d2
        iota_f = lax.broadcasted_iota(jnp.int32, (R, L), 1).astype(jnp.float32)
        ctr8 = ctr8_ref[...]
        ctr8_hi = ctr8.astype(jnp.bfloat16).astype(jnp.float32)
        ctr16 = jnp.concatenate([ctr8_hi, ctr8 - ctr8_hi], axis=1)
        dn = (((1,), (0,)), ((), ()))
        lf = jnp.float32(L)
        for k in range(K):
            d = d_ref[...]
            m = jnp.min(d, axis=1, keepdims=True)
            cand = jnp.where(d == m, iota_f, lf)
            idx_f = jnp.min(cand, axis=1, keepdims=True)
            sel = cand == idx_f
            if k < K - 1:
                d_ref[...] = jnp.where(sel, jnp.float32(jnp.inf), d)
            selb = jnp.where(sel, jnp.float32(1.0), jnp.float32(0.0))
            nc16 = lax.dot_general(selb, ctr16, dn,
                                   preferred_element_type=jnp.float32)
            nc_ref[:, 3 * k:3 * k + 3] = nc16[:, 0:3] + nc16[:, 8:11]
            nbr_ref[:, k:k + 1] = idx_f.astype(jnp.int32) + (b + b0) * L

        KC = 3 * K
        lane = lax.broadcasted_iota(jnp.int32, (R, KC), 1)
        lmod = lax.rem(lane, 3)
        ci_rep = jnp.where(lmod == 0, cxi, jnp.where(lmod == 1, cyi, czi))
        delta = nc_ref[...] - ci_rep
        rows48 = lax.broadcasted_iota(jnp.int32, (KC, KC), 0)
        cols48 = lax.broadcasted_iota(jnp.int32, (KC, KC), 1)
        same_k = (rows48 // 3) == (cols48 // 3)
        acc = jnp.zeros((R, KC), jnp.float32)
        for a in range(3):
            a0 = ax_ref[:, 3 * a:3 * a + 1]
            a1 = ax_ref[:, 3 * a + 1:3 * a + 2]
            a2 = ax_ref[:, 3 * a + 2:3 * a + 3]
            a_rep = jnp.where(lmod == 0, a0, jnp.where(lmod == 1, a1, a2))
            prod = delta * a_rep
            prod_hi = prod.astype(jnp.bfloat16).astype(jnp.float32)
            prod_lo = prod - prod_hi
            s_a = jnp.where(same_k & (lax.rem(cols48, 3) == a),
                            jnp.float32(1.0), jnp.float32(0.0))
            acc = (acc
                   + lax.dot_general(prod_hi, s_a, dn,
                                     preferred_element_type=jnp.float32)
                   + lax.dot_general(prod_lo, s_a, dn,
                                     preferred_element_type=jnp.float32))
        coords_ref[...] = acc

    return _topk_body


def _topk_call(centers, centers_t, centers8, axes9, b0):
    return pl.pallas_call(
        _make_topk_body(b0),
        grid=(BH, L // R),
        in_specs=[
            pl.BlockSpec((None, R, 3), lambda b, r: (b, r, 0)),
            pl.BlockSpec((None, 3, L), lambda b, r: (b, 0, 0)),
            pl.BlockSpec((None, L, 8), lambda b, r: (b, 0, 0)),
            pl.BlockSpec((None, R, 9), lambda b, r: (b, r, 0)),
        ],
        out_specs=[
            pl.BlockSpec((None, R, 3 * K), lambda b, r: (b, r, 0)),
            pl.BlockSpec((None, R, K), lambda b, r: (b, r, 0)),
        ],
        out_shape=[
            jax.ShapeDtypeStruct((BH, L, 3 * K), jnp.float32),
            jax.ShapeDtypeStruct((BH, L, K), jnp.int32),
        ],
        scratch_shapes=[
            pltpu.VMEM((R, L), jnp.float32),
            pltpu.VMEM((R, 3 * K), jnp.float32),
        ],
    )(centers, centers_t, centers8, axes9)


@functools.cache
def _gather_kernel_build():
    @functools.partial(
        pl.kernel,
        mesh=plsc.VectorSubcoreMesh(core_axis_name="c", subcore_axis_name="s"),
        out_type=jax.ShapeDtypeStruct((TOTAL_H, D), jnp.float32),
        scratch_types=[
            pltpu.VMEM((ROWS_PER_W, IDX_COLS), jnp.int32),
            pltpu.VMEM((2, IDX_COLS, D), jnp.float32),
            pltpu.SemaphoreType.DMA,
        ],
    )
    def _gather_kernel(table_hbm, idx_hbm, out_hbm, idx_v, bufs, sem):
        wid = lax.axis_index("s") * NC + lax.axis_index("c")
        base = wid * ROWS_PER_W
        pltpu.sync_copy(idx_hbm.at[pl.ds(base, ROWS_PER_W)], idx_v)
        pltpu.async_copy(table_hbm.at[idx_v.at[0]], bufs.at[0], sem)

        def body(j, carry):
            jm = lax.rem(j, 2)
            pltpu.make_async_copy(
                table_hbm.at[pl.ds(0, IDX_COLS)], bufs.at[jm], sem).wait()
            nxt = j + 1

            @pl.when(nxt < ROWS_PER_W)
            def _():
                pltpu.async_copy(
                    table_hbm.at[idx_v.at[nxt]], bufs.at[lax.rem(nxt, 2)], sem)

            pltpu.sync_copy(
                bufs.at[jm], out_hbm.at[pl.ds((base + j) * IDX_COLS, IDX_COLS)])
            return carry

        lax.fori_loop(0, ROWS_PER_W, body, 0)

    return _gather_kernel


def kernel(frame, attr):
    centers = frame[:, :, 0, :]
    centers_t = jnp.transpose(centers, (0, 2, 1))
    centers8 = jnp.concatenate(
        [centers, jnp.zeros((B, L, 5), jnp.float32)], axis=-1)
    axes9 = frame[:, :, 1:4, :].reshape(B, L, 9)
    table = attr.reshape(B * L, D)
    gather = _gather_kernel_build()

    coords, nbr = _topk_call(centers, centers_t, centers8, axes9, 0)
    gathered = gather(table, nbr.reshape(IDX_ROWS_H, IDX_COLS))

    coords4 = coords.reshape(B, L, K, 3)
    attrs4 = gathered.reshape(B, L, K, D)
    return jnp.concatenate([coords4, attrs4], axis=-1)

# --- scband reference (transcript-rebuilt; emitter-appended) ---
"""Pipeline reference for scband-local-neighborhood-1666447311239 (READ-ONLY COPY).

The authoritative reference and input builder live on the scoring server;
editing this copy changes nothing except your own understanding.
"""

import jax, jax.numpy as jnp
import numpy as np

KMAX = 16
BIG_DISTANCE = 1000.0


def setup_inputs(seed: int = 0) -> dict:
    key = jax.random.key(seed)
    k1, k2 = jax.random.split(key)
    frame = jax.random.normal(k1, (8, 1024, 4, 3), dtype=jnp.float32)
    attr = jax.random.normal(k2, (8, 1024, 128), dtype=jnp.float32)
    return {"frame": frame, "attr": attr}


def reference(frame, attr):
    # LocalNeighborhood with coordinates=['euclidian'], self_neighborhood=True,
    # nrotations=1, no masks. inputs = [frame, attr].
    # frame: [B, L, 4, 3]  (slot 0 = center point, slots 1:4 = local frame axes)
    # attr:  [B, L, d]     (second_attributes, one attribute tensor)
    first_frame = frame
    first_center = first_frame[:, :, 0]            # [B, L, 3]
    second_center = first_center                   # self-neighborhood

    # distance(first_center, second_center, squared=True, ndims=3)
    d0 = (first_center[..., 0][:, :, None] - second_center[..., 0][:, None, :]) ** 2
    d1 = (first_center[..., 1][:, :, None] - second_center[..., 1][:, None, :]) ** 2
    d2 = (first_center[..., 2][:, :, None] - second_center[..., 2][:, None, :]) ** 2
    distance_square = d0 + d1 + d2                 # [B, L, L]

    # neighbors = argsort(distance_square)[:, :, :Kmax]
    neighbors = jnp.argsort(distance_square, axis=-1)[:, :, :KMAX]  # [B, L, K]

    # tf.gather_nd(x, neighbors[..., None], batch_dims=1) == per-batch row gather
    gather_b = jax.vmap(lambda x, idx: x[idx])
    neighbors_attributes = gather_b(attr, neighbors)          # [B, L, K, d]
    neighbor_centers = gather_b(second_center, neighbors)     # [B, L, K, 3]

    # euclidian coordinates: project deltas onto the local frame axes
    delta = neighbor_centers - first_center[:, :, None, :]    # [B, L, K, 3]
    frame_axes = first_frame[:, :, 1:4]                        # [B, L, 3, 3]
    euclidian_coordinates = jnp.sum(
        delta[:, :, :, None, :] * frame_axes[:, :, None, :, :], axis=-1
    )                                                          # [B, L, K, 3]

    # layer output: [neighbor_coordinates..., neighbors_attributes...]
    # packed here as a single concatenated tensor along the last axis
    return jnp.concatenate([euclidian_coordinates, neighbors_attributes], axis=-1)

if __name__ == "__main__":
    import jax
    _d = setup_inputs()
    print(jax.jit(kernel)(*tuple(_d.values())))

</pallas_src>

<mosaic_0001>
#map = affine_map<(d0, d1) -> (0, 0)>
module attributes {stable_mosaic.version = 14 : i64} {
  func.func @_gather_kernel(%arg0: i32, %arg1: i32, %arg2: memref<8192x128xf32, #tpu.memory_space<hbm>>, %arg3: memref<1024x128xi32, #tpu.memory_space<hbm>>, %arg4: memref<131072x128xf32, #tpu.memory_space<hbm>>, %arg5: memref<32x128xi32, #tpu.memory_space<vmem>>, %arg6: memref<2x128x128xf32, #tpu.memory_space<vmem>>, %arg7: memref<!tpu.dma_semaphore, #tpu.memory_space<semaphore_mem>>) attributes {dimension_semantics = [#tpu.dimension_semantics<core_parallel>, #tpu.dimension_semantics<subcore_parallel>], iteration_bounds = array<i64: 2, 16>, scalar_prefetch = 0 : i64, scratch_operands = 3 : i64, tpu.core_type = #tpu.core_type<sc_vector_subcore>, window_params = [{transform_indices = #map}, {transform_indices = #map}, {transform_indices = #map}]} {
    %mul3A = arith.constant 2 : i32
    %mul3A_0 = arith.muli %arg1, %mul3A : i32
    %add3A = arith.addi %mul3A_0, %arg0 : i32
    %mul3A_1 = arith.constant 32 : i32
    %mul3A_2 = arith.muli %add3A, %mul3A_1 : i32
    "tpu.region"() ({
      %run_scoped3A = tpu.sem_alloc : memref<!tpu.dma_semaphore, #tpu.memory_space<semaphore_mem>>
      %dma_start3A_19 = arith.constant 0 : i32
      %dma_start3A_20 = tpu.memref_slice %arg3[%mul3A_2, %dma_start3A_19] : memref<1024x128xi32, #tpu.memory_space<hbm>> -> memref<32x128xi32, #tpu.memory_space<hbm>>
      %dma_start3A_21 = arith.constant 0 : i32
      %dma_start3A_22 = tpu.memref_slice %arg3[%mul3A_2, %dma_start3A_21] : memref<1024x128xi32, #tpu.memory_space<hbm>> -> memref<32x128xi32, #tpu.memory_space<hbm>>
      tpu.enqueue_dma source(%dma_start3A_22 : memref<32x128xi32, #tpu.memory_space<hbm>>) target(%arg5 : memref<32x128xi32, #tpu.memory_space<vmem>>) target_semaphore(%run_scoped3A : memref<!tpu.dma_semaphore, #tpu.memory_space<semaphore_mem>>)
      %dma_wait3A = arith.constant 0 : i32
      %dma_wait3A_23 = tpu.memref_slice %arg3[%mul3A_2, %dma_wait3A] : memref<1024x128xi32, #tpu.memory_space<hbm>> -> memref<32x128xi32, #tpu.memory_space<hbm>>
      %dma_wait3A_24 = arith.constant 0 : i32
      %dma_wait3A_25 = tpu.memref_slice %arg3[%mul3A_2, %dma_wait3A_24] : memref<1024x128xi32, #tpu.memory_space<hbm>> -> memref<32x128xi32, #tpu.memory_space<hbm>>
      tpu.wait_dma2 semaphore(%run_scoped3A : memref<!tpu.dma_semaphore, #tpu.memory_space<semaphore_mem>>) src(%dma_wait3A_25 : memref<32x128xi32, #tpu.memory_space<hbm>>) dst(%arg5 : memref<32x128xi32, #tpu.memory_space<vmem>>)
      tpu.yield
    }) : () -> ()
    %dma_start3A = arith.constant 0 : i32
    %dma_start3A_3 = arith.constant 0 : i32
    %dma_start3A_4 = arith.constant 0 : i32
    %dma_start3A_5 = arith.constant 0 : i32
    %dma_start3A_6 = tpu.memref_slice %arg6[%dma_start3A_3, %dma_start3A_4, %dma_start3A_5] : memref<2x128x128xf32, #tpu.memory_space<vmem>> -> memref<1x128x128xf32, #tpu.memory_space<vmem>>
    %dma_start3A_7 = tpu.memref_squeeze %dma_start3A_6 : memref<1x128x128xf32, #tpu.memory_space<vmem>> -> memref<128x128xf32, #tpu.memory_space<vmem>>
    %dma_start3A_8 = arith.constant 0 : i32
    %dma_start3A_9 = tpu.memref_slice %arg5[%dma_start3A, %dma_start3A_8] : memref<32x128xi32, #tpu.memory_space<vmem>> -> memref<1x128xi32, #tpu.memory_space<vmem>>
    %dma_start3A_10 = tpu.memref_squeeze %dma_start3A_9 : memref<1x128xi32, #tpu.memory_space<vmem>> -> memref<128xi32, #tpu.memory_space<vmem>>
    %dma_start3A_11 = arith.constant 0 : i32
    %dma_start3A_12 = arith.constant 0 : i32
    %dma_start3A_13 = tpu.memref_slice %arg2[%dma_start3A_11, %dma_start3A_12] : memref<8192x128xf32, #tpu.memory_space<hbm>> -> memref<8192x128xf32, #tpu.memory_space<hbm>>
    tpu.enqueue_indirect_dma source(%dma_start3A_13 : memref<8192x128xf32, #tpu.memory_space<hbm>>) target(%dma_start3A_7 : memref<128x128xf32, #tpu.memory_space<vmem>>) offsets(%dma_start3A_10 : memref<128xi32, #tpu.memory_space<vmem>>) semaphore(%arg7 : memref<!tpu.dma_semaphore, #tpu.memory_space<semaphore_mem>>)
    %scan3A = arith.constant 0 : i32
    %scan3A_14 = arith.constant 0 : i32
    %scan3A_15 = arith.constant 32 : i32
    %scan3A_16 = arith.addi %scan3A_14, %scan3A_15 : i32
    %scan3A_17 = arith.constant 1 : i32
    scf.for %scan3A_19 = %scan3A_14 to %scan3A_16 step %scan3A_17  : i32 {
      %rem3A = arith.constant 2 : i32
      %rem3A_20 = arith.remsi %scan3A_19, %rem3A : i32
      %dma_wait3A = arith.constant 0 : i32
      %dma_wait3A_21 = arith.constant 0 : i32
      %dma_wait3A_22 = tpu.memref_slice %arg6[%rem3A_20, %dma_wait3A, %dma_wait3A_21] : memref<2x128x128xf32, #tpu.memory_space<vmem>> -> memref<1x128x128xf32, #tpu.memory_space<vmem>>
      %dma_wait3A_23 = tpu.memref_squeeze %dma_wait3A_22 : memref<1x128x128xf32, #tpu.memory_space<vmem>> -> memref<128x128xf32, #tpu.memory_space<vmem>>
      %dma_wait3A_24 = arith.constant 0 : i32
      %dma_wait3A_25 = arith.constant 0 : i32
      %dma_wait3A_26 = tpu.memref_slice %arg2[%dma_wait3A_24, %dma_wait3A_25] : memref<8192x128xf32, #tpu.memory_space<hbm>> -> memref<128x128xf32, #tpu.memory_space<hbm>>
      %dma_wait3A_27 = arith.constant 0 : i32
      %dma_wait3A_28 = arith.constant 0 : i32
      %dma_wait3A_29 = tpu.memref_slice %arg6[%rem3A_20, %dma_wait3A_27, %dma_wait3A_28] : memref<2x128x128xf32, #tpu.memory_space<vmem>> -> memref<1x128x128xf32, #tpu.memory_space<vmem>>
      %dma_wait3A_30 = tpu.memref_squeeze %dma_wait3A_29 : memref<1x128x128xf32, #tpu.memory_space<vmem>> -> memref<128x128xf32, #tpu.memory_space<vmem>>
      %dma_wait3A_31 = arith.constant 0 : i32
      %dma_wait3A_32 = arith.constant 0 : i32
      %dma_wait3A_33 = tpu.memref_slice %arg2[%dma_wait3A_31, %dma_wait3A_32] : memref<8192x128xf32, #tpu.memory_space<hbm>> -> memref<128x128xf32, #tpu.memory_space<hbm>>
      tpu.wait_dma2 semaphore(%arg7 : memref<!tpu.dma_semaphore, #tpu.memory_space<semaphore_mem>>) src(%dma_wait3A_33 : memref<128x128xf32, #tpu.memory_space<hbm>>) dst(%dma_wait3A_30 : memref<128x128xf32, #tpu.memory_space<vmem>>)
      %add3A_34 = arith.constant 1 : i32
      %add3A_35 = arith.addi %scan3A_19, %add3A_34 : i32
      %lt3A = arith.constant 32 : i32
      %lt3A_36 = arith.cmpi slt, %add3A_35, %lt3A : i32
      %convert_element_type3A = arith.extui %lt3A_36 : i1 to i32
      %cond3A = arith.constant 0 : i32
      %cond3A_37 = arith.cmpi ne, %convert_element_type3A, %cond3A : i32
      scf.if %cond3A_37 {
        %rem3A_41 = arith.constant 2 : i32
        %rem3A_42 = arith.remsi %add3A_35, %rem3A_41 : i32
        %dma_start3A_43 = arith.constant 0 : i32
        %dma_start3A_44 = arith.constant 0 : i32
        %dma_start3A_45 = tpu.memref_slice %arg6[%rem3A_42, %dma_start3A_43, %dma_start3A_44] : memref<2x128x128xf32, #tpu.memory_space<vmem>> -> memref<1x128x128xf32, #tpu.memory_space<vmem>>
        %dma_start3A_46 = tpu.memref_squeeze %dma_start3A_45 : memref<1x128x128xf32, #tpu.memory_space<vmem>> -> memref<128x128xf32, #tpu.memory_space<vmem>>
        %dma_start3A_47 = arith.constant 0 : i32
        %dma_start3A_48 = tpu.memref_slice %arg5[%add3A_35, %dma_start3A_47] : memref<32x128xi32, #tpu.memory_space<vmem>> -> memref<1x128xi32, #tpu.memory_space<vmem>>
        %dma_start3A_49 = tpu.memref_squeeze %dma_start3A_48 : memref<1x128xi32, #tpu.memory_space<vmem>> -> memref<128xi32, #tpu.memory_space<vmem>>
        %dma_start3A_50 = arith.constant 0 : i32
        %dma_start3A_51 = arith.constant 0 : i32
        %dma_start3A_52 = tpu.memref_slice %arg2[%dma_start3A_50, %dma_start3A_51] : memref<8192x128xf32, #tpu.memory_space<hbm>> -> memref<8192x128xf32, #tpu.memory_space<hbm>>
        tpu.enqueue_indirect_dma source(%dma_start3A_52 : memref<8192x128xf32, #tpu.memory_space<hbm>>) target(%dma_start3A_46 : memref<128x128xf32, #tpu.memory_space<vmem>>) offsets(%dma_start3A_49 : memref<128xi32, #tpu.memory_space<vmem>>) semaphore(%arg7 : memref<!tpu.dma_semaphore, #tpu.memory_space<semaphore_mem>>)
      } else {
      }
      %add3A_38 = arith.addi %mul3A_2, %scan3A_19 : i32
      %mul3A_39 = arith.constant 128 : i32
      %mul3A_40 = arith.muli %add3A_38, %mul3A_39 : i32
      "tpu.region"() ({
        %run_scoped3A = tpu.sem_alloc : memref<!tpu.dma_semaphore, #tpu.memory_space<semaphore_mem>>
        %dma_start3A_41 = arith.constant 0 : i32
        %dma_start3A_42 = arith.constant 0 : i32
        %dma_start3A_43 = tpu.memref_slice %arg6[%rem3A_20, %dma_start3A_41, %dma_start3A_42] : memref<2x128x128xf32, #tpu.memory_space<vmem>> -> memref<1x128x128xf32, #tpu.memory_space<vmem>>
        %dma_start3A_44 = tpu.memref_squeeze %dma_start3A_43 : memref<1x128x128xf32, #tpu.memory_space<vmem>> -> memref<128x128xf32, #tpu.memory_space<vmem>>
        %dma_start3A_45 = arith.constant 0 : i32
        %dma_start3A_46 = tpu.memref_slice %arg4[%mul3A_40, %dma_start3A_45] : memref<131072x128xf32, #tpu.memory_space<hbm>> -> memref<128x128xf32, #tpu.memory_space<hbm>>
        %dma_start3A_47 = arith.constant 0 : i32
        %dma_start3A_48 = tpu.memref_slice %arg4[%mul3A_40, %dma_start3A_47] : memref<131072x128xf32, #tpu.memory_space<hbm>> -> memref<128x128xf32, #tpu.memory_space<hbm>>
        %dma_start3A_49 = arith.constant 0 : i32
        %dma_start3A_50 = arith.constant 0 : i32
        %dma_start3A_51 = tpu.memref_slice %arg6[%rem3A_20, %dma_start3A_49, %dma_start3A_50] : memref<2x128x128xf32, #tpu.memory_space<vmem>> -> memref<1x128x128xf32, #tpu.memory_space<vmem>>
        %dma_start3A_52 = tpu.memref_squeeze %dma_start3A_51 : memref<1x128x128xf32, #tpu.memory_space<vmem>> -> memref<128x128xf32, #tpu.memory_space<vmem>>
        tpu.enqueue_dma source(%dma_start3A_52 : memref<128x128xf32, #tpu.memory_space<vmem>>) target(%dma_start3A_48 : memref<128x128xf32, #tpu.memory_space<hbm>>) target_semaphore(%run_scoped3A : memref<!tpu.dma_semaphore, #tpu.memory_space<semaphore_mem>>)
        %dma_wait3A_53 = arith.constant 0 : i32
        %dma_wait3A_54 = arith.constant 0 : i32
        %dma_wait3A_55 = tpu.memref_slice %arg6[%rem3A_20, %dma_wait3A_53, %dma_wait3A_54] : memref<2x128x128xf32, #tpu.memory_space<vmem>> -> memref<1x128x128xf32, #tpu.memory_space<vmem>>
        %dma_wait3A_56 = tpu.memref_squeeze %dma_wait3A_55 : memref<1x128x128xf32, #tpu.memory_space<vmem>> -> memref<128x128xf32, #tpu.memory_space<vmem>>
        %dma_wait3A_57 = arith.constant 0 : i32
        %dma_wait3A_58 = tpu.memref_slice %arg4[%mul3A_40, %dma_wait3A_57] : memref<131072x128xf32, #tpu.memory_space<hbm>> -> memref<128x128xf32, #tpu.memory_space<hbm>>
        %dma_wait3A_59 = arith.constant 0 : i32
        %dma_wait3A_60 = tpu.memref_slice %arg4[%mul3A_40, %dma_wait3A_59] : memref<131072x128xf32, #tpu.memory_space<hbm>> -> memref<128x128xf32, #tpu.memory_space<hbm>>
        %dma_wait3A_61 = arith.constant 0 : i32
        %dma_wait3A_62 = arith.constant 0 : i32
        %dma_wait3A_63 = tpu.memref_slice %arg6[%rem3A_20, %dma_wait3A_61, %dma_wait3A_62] : memref<2x128x128xf32, #tpu.memory_space<vmem>> -> memref<1x128x128xf32, #tpu.memory_space<vmem>>
        %dma_wait3A_64 = tpu.memref_squeeze %dma_wait3A_63 : memref<1x128x128xf32, #tpu.memory_space<vmem>> -> memref<128x128xf32, #tpu.memory_space<vmem>>
        tpu.wait_dma2 semaphore(%run_scoped3A : memref<!tpu.dma_semaphore, #tpu.memory_space<semaphore_mem>>) src(%dma_wait3A_64 : memref<128x128xf32, #tpu.memory_space<vmem>>) dst(%dma_wait3A_60 : memref<128x128xf32, #tpu.memory_space<hbm>>)
        tpu.yield
      }) : () -> ()
    }
    %scan3A_18 = arith.constant 32 : i32
    return
  }
}

module attributes {stable_mosaic.version = 14 : i64} {
  func.func @_topk_body(%arg0: i32, %arg1: i32, %arg2: memref<1x256x3xf32, #tpu.memory_space<vmem>>, %arg3: memref<1x3x1024xf32, #tpu.memory_space<vmem>>, %arg4: memref<1x1024x8xf32, #tpu.memory_space<vmem>>, %arg5: memref<1x256x9xf32, #tpu.memory_space<vmem>>, %arg6: memref<1x256x48xf32, #tpu.memory_space<vmem>>, %arg7: memref<1x256x16xi32, #tpu.memory_space<vmem>>, %arg8: memref<256x1024xf32, #tpu.memory_space<vmem>>, %arg9: memref<256x48xf32, #tpu.memory_space<vmem>>) attributes {dimension_semantics = [#tpu.dimension_semantics<arbitrary>, #tpu.dimension_semantics<arbitrary>], iteration_bounds = array<i64: 8, 4>, scalar_prefetch = 0 : i64, scratch_operands = 2 : i64, tpu.core_type = #tpu.core_type<tc>, window_params = [{transform_indices = @transform_0, window_bounds = array<i64: 1, 256, 3>}, {transform_indices = @transform_1, window_bounds = array<i64: 1, 3, 1024>}, {transform_indices = @transform_2, window_bounds = array<i64: 1, 1024, 8>}, {transform_indices = @transform_3, window_bounds = array<i64: 1, 256, 9>}, {transform_indices = @transform_4, window_bounds = array<i64: 1, 256, 48>}, {transform_indices = @transform_5, window_bounds = array<i64: 1, 256, 16>}]} {
    %get3A = arith.constant 0 : index
    %get3A_0 = arith.constant 0 : index
    %get3A_1 = arith.constant 0 : index
    %get3A_2 = vector.load %arg3[%get3A, %get3A_0, %get3A_1] : memref<1x3x1024xf32, #tpu.memory_space<vmem>>, vector<1x1x1024xf32>
    %get3A_3 = vector.shape_cast %get3A_2 : vector<1x1x1024xf32> to vector<1x1024xf32>
    %get3A_4 = arith.constant 0 : index
    %get3A_5 = arith.constant 1 : index
    %get3A_6 = arith.constant 0 : index
    %get3A_7 = vector.load %arg3[%get3A_4, %get3A_5, %get3A_6] : memref<1x3x1024xf32, #tpu.memory_space<vmem>>, vector<1x1x1024xf32>
    %get3A_8 = vector.shape_cast %get3A_7 : vector<1x1x1024xf32> to vector<1x1024xf32>
    %get3A_9 = arith.constant 0 : index
    %get3A_10 = arith.constant 2 : index
    %get3A_11 = arith.constant 0 : index
    %get3A_12 = vector.load %arg3[%get3A_9, %get3A_10, %get3A_11] : memref<1x3x1024xf32, #tpu.memory_space<vmem>>, vector<1x1x1024xf32>
    %get3A_13 = vector.shape_cast %get3A_12 : vector<1x1x1024xf32> to vector<1x1024xf32>
    %get3A_14 = arith.constant 0 : index
    %get3A_15 = arith.constant 0 : index
    %get3A_16 = arith.constant 0 : index
    %get3A_17 = vector.load %arg2[%get3A_14, %get3A_15, %get3A_16] : memref<1x256x3xf32, #tpu.memory_space<vmem>>, vector<1x256x1xf32>
    %get3A_18 = vector.shape_cast %get3A_17 : vector<1x256x1xf32> to vector<256x1xf32>
    %get3A_19 = arith.constant 0 : index
    %get3A_20 = arith.constant 0 : index
    %get3A_21 = arith.constant 1 : index
    %get3A_22 = vector.load %arg2[%get3A_19, %get3A_20, %get3A_21] : memref<1x256x3xf32, #tpu.memory_space<vmem>>, vector<1x256x1xf32>
    %get3A_23 = vector.shape_cast %get3A_22 : vector<1x256x1xf32> to vector<256x1xf32>
    %get3A_24 = arith.constant 0 : index
    %get3A_25 = arith.constant 0 : index
    %get3A_26 = arith.constant 2 : index
    %get3A_27 = vector.load %arg2[%get3A_24, %get3A_25, %get3A_26] : memref<1x256x3xf32, #tpu.memory_space<vmem>>, vector<1x256x1xf32>
    %get3A_28 = vector.shape_cast %get3A_27 : vector<1x256x1xf32> to vector<256x1xf32>
    %sub3A = vector.broadcast %get3A_18 : vector<256x1xf32> to vector<256x1024xf32>
    %sub3A_29 = vector.broadcast %get3A_3 : vector<1x1024xf32> to vector<256x1024xf32>
    %sub3A_30 = arith.subf %sub3A, %sub3A_29 : vector<256x1024xf32>
    %integer_pow3A = arith.mulf %sub3A_30, %sub3A_30 : vector<256x1024xf32>
    %sub3A_31 = vector.broadcast %get3A_23 : vector<256x1xf32> to vector<256x1024xf32>
    %sub3A_32 = vector.broadcast %get3A_8 : vector<1x1024xf32> to vector<256x1024xf32>
    %sub3A_33 = arith.subf %sub3A_31, %sub3A_32 : vector<256x1024xf32>
    %integer_pow3A_34 = arith.mulf %sub3A_33, %sub3A_33 : vector<256x1024xf32>
    %sub3A_35 = vector.broadcast %get3A_28 : vector<256x1xf32> to vector<256x1024xf32>
    %sub3A_36 = vector.broadcast %get3A_13 : vector<1x1024xf32> to vector<256x1024xf32>
    %sub3A_37 = arith.subf %sub3A_35, %sub3A_36 : vector<256x1024xf32>
    %integer_pow3A_38 = arith.mulf %sub3A_37, %sub3A_37 : vector<256x1024xf32>
    %add3A = arith.addf %integer_pow3A, %integer_pow3A_34 : vector<256x1024xf32>
    %add3A_39 = arith.addf %add3A, %integer_pow3A_38 : vector<256x1024xf32>
    %swap3A = arith.constant 0 : index
    %swap3A_40 = arith.constant 0 : index
    %swap3A_41 = vector.load %arg8[%swap3A, %swap3A_40] : memref<256x1024xf32, #tpu.memory_space<vmem>>, vector<256x1024xf32>
    tpu.vector_store %arg8[%swap3A, %swap3A_40], %add3A_39 {strides = array<i32>} : memref<256x1024xf32, #tpu.memory_space<vmem>>, vector<256x1024xf32>,
    %iota3A = tpu.iota {dimensions = array<i32: 1>} : vector<256x1024xi32>
    %convert_element_type3A = arith.sitofp %iota3A : vector<256x1024xi32> to vector<256x1024xf32>
    %get3A_42 = arith.constant 0 : index
    %get3A_43 = arith.constant 0 : index
    %get3A_44 = arith.constant 0 : index
    %get3A_45 = vector.load %arg4[%get3A_42, %get3A_43, %get3A_44] : memref<1x1024x8xf32, #tpu.memory_space<vmem>>, vector<1x1024x8xf32>
    %get3A_46 = vector.shape_cast %get3A_45 : vector<1x1024x8xf32> to vector<1024x8xf32>
    %convert_element_type3A_47 = arith.truncf %get3A_46 : vector<1024x8xf32> to vector<1024x8xbf16>
    %convert_element_type3A_48 = arith.extf %convert_element_type3A_47 : vector<1024x8xbf16> to vector<1024x8xf32>
    %sub3A_49 = arith.subf %get3A_46, %convert_element_type3A_48 : vector<1024x8xf32>
    %concatenate3A = tpu.concatenate %convert_element_type3A_48, %sub3A_49 in 1 : vector<1024x8xf32>, vector<1024x8xf32> -> vector<1024x16xf32>
    %get3A_50 = arith.constant 0 : index
    %get3A_51 = arith.constant 0 : index
    %get3A_52 = vector.load %arg8[%get3A_50, %get3A_51] : memref<256x1024xf32, #tpu.memory_space<vmem>>, vector<256x1024xf32>
    %reduce_min3A = arith.constant dense<0x7F800000> : vector<256xf32>
    %reduce_min3A_53 = vector.multi_reduction <minimumf>, %get3A_52, %reduce_min3A [1] : vector<256x1024xf32> to vector<256xf32>
    %broadcast_in_dim3A = vector.shape_cast %reduce_min3A_53 : vector<256xf32> to vector<256x1xf32>
    %eq3A = vector.broadcast %broadcast_in_dim3A : vector<256x1xf32> to vector<256x1024xf32>
    %eq3A_54 = arith.cmpf oeq, %get3A_52, %eq3A : vector<256x1024xf32>
    %jit3A = arith.constant 1.024000e+03 : f32
    %broadcast_in_dim3A_55 = vector.broadcast %jit3A : f32 to vector<256x1024xf32>
    %select_n3A = arith.select %eq3A_54, %convert_element_type3A, %broadcast_in_dim3A_55 : vector<256x1024xi1>, vector<256x1024xf32>
    %reduce_min3A_56 = arith.constant dense<0x7F800000> : vector<256xf32>
    %reduce_min3A_57 = vector.multi_reduction <minimumf>, %select_n3A, %reduce_min3A_56 [1] : vector<256x1024xf32> to vector<256xf32>
    %broadcast_in_dim3A_58 = vector.shape_cast %reduce_min3A_57 : vector<256xf32> to vector<256x1xf32>
    %eq3A_59 = vector.broadcast %broadcast_in_dim3A_58 : vector<256x1xf32> to vector<256x1024xf32>
    %eq3A_60 = arith.cmpf oeq, %select_n3A, %eq3A_59 : vector<256x1024xf32>
    %jit3A_61 = arith.constant 0x7F800000 : f32
    %broadcast_in_dim3A_62 = vector.broadcast %jit3A_61 : f32 to vector<256x1024xf32>
    %select_n3A_63 = arith.select %eq3A_60, %broadcast_in_dim3A_62, %get3A_52 : vector<256x1024xi1>, vector<256x1024xf32>
    %swap3A_64 = arith.constant 0 : index
    %swap3A_65 = arith.constant 0 : index
    %swap3A_66 = vector.load %arg8[%swap3A_64, %swap3A_65] : memref<256x1024xf32, #tpu.memory_space<vmem>>, vector<256x1024xf32>
    tpu.vector_store %arg8[%swap3A_64, %swap3A_65], %select_n3A_63 {strides = array<i32>} : memref<256x1024xf32, #tpu.memory_space<vmem>>, vector<256x1024xf32>,
    %jit3A_67 = arith.constant 1.000000e+00 : f32
    %jit3A_68 = arith.constant 0.000000e+00 : f32
    %broadcast_in_dim3A_69 = vector.broadcast %jit3A_67 : f32 to vector<256x1024xf32>
    %broadcast_in_dim3A_70 = vector.broadcast %jit3A_68 : f32 to vector<256x1024xf32>
    %select_n3A_71 = arith.select %eq3A_60, %broadcast_in_dim3A_69, %broadcast_in_dim3A_70 : vector<256x1024xi1>, vector<256x1024xf32>
    %dot_general3A = arith.constant dense<0.000000e+00> : vector<256x16xf32>
    %dot_general3A_72 = tpu.matmul %select_n3A_71, %concatenate3A, %dot_general3A {dimension_numbers = #tpu.dot_dimension_numbers<[1], [0], [0], [1], [0, 0, 1, 1], [], []>, transpose_lhs_hint = false} : vector<256x1024xf32>, vector<1024x16xf32>, vector<256x16xf32> -> vector<256x16xf32>
    %slice3A = vector.extract_strided_slice %dot_general3A_72 {offsets = [0, 0], sizes = [256, 3], strides = [1, 1]} : vector<256x16xf32> to vector<256x3xf32>
    %slice3A_73 = vector.extract_strided_slice %dot_general3A_72 {offsets = [0, 8], sizes = [256, 3], strides = [1, 1]} : vector<256x16xf32> to vector<256x3xf32>
    %add3A_74 = arith.addf %slice3A, %slice3A_73 : vector<256x3xf32>
    %swap3A_75 = arith.constant 0 : index
    %swap3A_76 = arith.constant 0 : index
    %swap3A_77 = vector.load %arg9[%swap3A_75, %swap3A_76] : memref<256x48xf32, #tpu.memory_space<vmem>>, vector<256x3xf32>
    tpu.vector_store %arg9[%swap3A_75, %swap3A_76], %add3A_74 {strides = array<i32>} : memref<256x48xf32, #tpu.memory_space<vmem>>, vector<256x3xf32>,
    %convert_element_type3A_78 = arith.fptosi %broadcast_in_dim3A_58 : vector<256x1xf32> to vector<256x1xi32>
    %add3A_79 = arith.constant 0 : i32
    %add3A_80 = arith.addi %arg0, %add3A_79 : i32
    %mul3A = arith.constant 1024 : i32
    %mul3A_81 = arith.muli %add3A_80, %mul3A : i32
    %add3A_82 = vector.broadcast %mul3A_81 : i32 to vector<256x1xi32>
    %add3A_83 = arith.addi %convert_element_type3A_78, %add3A_82 : vector<256x1xi32>
    %swap3A_84 = arith.constant 0 : index
    %swap3A_85 = arith.constant 0 : index
    %swap3A_86 = arith.constant 0 : index
    %swap3A_87 = vector.load %arg7[%swap3A_84, %swap3A_85, %swap3A_86] : memref<1x256x16xi32, #tpu.memory_space<vmem>>, vector<1x256x1xi32>
    %swap3A_88 = vector.shape_cast %swap3A_87 : vector<1x256x1xi32> to vector<256x1xi32>
    %swap3A_89 = vector.shape_cast %add3A_83 : vector<256x1xi32> to vector<1x256x1xi32>
    tpu.vector_store %arg7[%swap3A_84, %swap3A_85, %swap3A_86], %swap3A_89 {strides = array<i32>} : memref<1x256x16xi32, #tpu.memory_space<vmem>>, vector<1x256x1xi32>,
    %get3A_90 = arith.constant 0 : index
    %get3A_91 = arith.constant 0 : index
    %get3A_92 = vector.load %arg8[%get3A_90, %get3A_91] : memref<256x1024xf32, #tpu.memory_space<vmem>>, vector<256x1024xf32>
    %reduce_min3A_93 = arith.constant dense<0x7F800000> : vector<256xf32>
    %reduce_min3A_94 = vector.multi_reduction <minimumf>, %get3A_92, %reduce_min3A_93 [1] : vector<256x1024xf32> to vector<256xf32>
    %broadcast_in_dim3A_95 = vector.shape_cast %reduce_min3A_94 : vector<256xf32> to vector<256x1xf32>
    %eq3A_96 = vector.broadcast %broadcast_in_dim3A_95 : vector<256x1xf32> to vector<256x1024xf32>
    %eq3A_97 = arith.cmpf oeq, %get3A_92, %eq3A_96 : vector<256x1024xf32>
    %jit3A_98 = arith.constant 1.024000e+03 : f32
    %broadcast_in_dim3A_99 = vector.broadcast %jit3A_98 : f32 to vector<256x1024xf32>
    %select_n3A_100 = arith.select %eq3A_97, %convert_element_type3A, %broadcast_in_dim3A_99 : vector<256x1024xi1>, vector<256x1024xf32>
    %reduce_min3A_101 = arith.constant dense<0x7F800000> : vector<256xf32>
    %reduce_min3A_102 = vector.multi_reduction <minimumf>, %select_n3A_100, %reduce_min3A_101 [1] : vector<256x1024xf32> to vector<256xf32>
    %broadcast_in_dim3A_103 = vector.shape_cast %reduce_min3A_102 : vector<256xf32> to vector<256x1xf32>
    %eq3A_104 = vector.broadcast %broadcast_in_dim3A_103 : vector<256x1xf32> to vector<256x1024xf32>
    %eq3A_105 = arith.cmpf oeq, %select_n3A_100, %eq3A_104 : vector<256x1024xf32>
    %jit3A_106 = arith.constant 0x7F800000 : f32
    %broadcast_in_dim3A_107 = vector.broadcast %jit3A_106 : f32 to vector<256x1024xf32>
    %select_n3A_108 = arith.select %eq3A_105, %broadcast_in_dim3A_107, %get3A_92 : vector<256x1024xi1>, vector<256x1024xf32>
    %swap3A_109 = arith.constant 0 : index
    %swap3A_110 = arith.constant 0 : index
    %swap3A_111 = vector.load %arg8[%swap3A_109, %swap3A_110] : memref<256x1024xf32, #tpu.memory_space<vmem>>, vector<256x1024xf32>
    tpu.vector_store %arg8[%swap3A_109, %swap3A_110], %select_n3A_108 {strides = array<i32>} : memref<256x1024xf32, #tpu.memory_space<vmem>>, vector<256x1024xf32>,
    %jit3A_112 = arith.constant 1.000000e+00 : f32
    %jit3A_113 = arith.constant 0.000000e+00 : f32
    %broadcast_in_dim3A_114 = vector.broadcast %jit3A_112 : f32 to vector<256x1024xf32>
    %broadcast_in_dim3A_115 = vector.broadcast %jit3A_113 : f32 to vector<256x1024xf32>
    %select_n3A_116 = arith.select %eq3A_105, %broadcast_in_dim3A_114, %broadcast_in_dim3A_115 : vector<256x1024xi1>, vector<256x1024xf32>
    %dot_general3A_117 = arith.constant dense<0.000000e+00> : vector<256x16xf32>
    %dot_general3A_118 = tpu.matmul %select_n3A_116, %concatenate3A, %dot_general3A_117 {dimension_numbers = #tpu.dot_dimension_numbers<[1], [0], [0], [1], [0, 0, 1, 1], [], []>, transpose_lhs_hint = false} : vector<256x1024xf32>, vector<1024x16xf32>, vector<256x16xf32> -> vector<256x16xf32>
    %slice3A_119 = vector.extract_strided_slice %dot_general3A_118 {offsets = [0, 0], sizes = [256, 3], strides = [1, 1]} : vector<256x16xf32> to vector<256x3xf32>
    %slice3A_120 = vector.extract_strided_slice %dot_general3A_118 {offsets = [0, 8], sizes = [256, 3], strides = [1, 1]} : vector<256x16xf32> to vector<256x3xf32>
    %add3A_121 = arith.addf %slice3A_119, %slice3A_120 : vector<256x3xf32>
    %swap3A_122 = arith.constant 0 : index
    %swap3A_123 = arith.constant 3 : index
    %swap3A_124 = vector.load %arg9[%swap3A_122, %swap3A_123] : memref<256x48xf32, #tpu.memory_space<vmem>>, vector<256x3xf32>
    tpu.vector_store %arg9[%swap3A_122, %swap3A_123], %add3A_121 {strides = array<i32>} : memref<256x48xf32, #tpu.memory_space<vmem>>, vector<256x3xf32>,
    %convert_element_type3A_125 = arith.fptosi %broadcast_in_dim3A_103 : vector<256x1xf32> to vector<256x1xi32>
    %add3A_126 = arith.constant 0 : i32
    %add3A_127 = arith.addi %arg0, %add3A_126 : i32
    %mul3A_128 = arith.constant 1024 : i32
    %mul3A_129 = arith.muli %add3A_127, %mul3A_128 : i32
    %add3A_130 = vector.broadcast %mul3A_129 : i32 to vector<256x1xi32>
    %add3A_131 = arith.addi %convert_element_type3A_125, %add3A_130 : vector<256x1xi32>
    %swap3A_132 = arith.constant 0 : index
    %swap3A_133 = arith.constant 0 : index
    %swap3A_134 = arith.constant 1 : index
    %swap3A_135 = vector.load %arg7[%swap3A_132, %swap3A_133, %swap3A_134] : memref<1x256x16xi32, #tpu.memory_space<vmem>>, vector<1x256x1xi32>
    %swap3A_136 = vector.shape_cast %swap3A_135 : vector<1x256x1xi32> to vector<256x1xi32>
    %swap3A_137 = vector.shape_cast %add3A_131 : vector<256x1xi32> to vector<1x256x1xi32>
    tpu.vector_store %arg7[%swap3A_132, %swap3A_133, %swap3A_134], %swap3A_137 {strides = array<i32>} : memref<1x256x16xi32, #tpu.memory_space<vmem>>, vector<1x256x1xi32>,
    %get3A_138 = arith.constant 0 : index
    %get3A_139 = arith.constant 0 : index
    %get3A_140 = vector.load %arg8[%get3A_138, %get3A_139] : memref<256x1024xf32, #tpu.memory_space<vmem>>, vector<256x1024xf32>
    %reduce_min3A_141 = arith.constant dense<0x7F800000> : vector<256xf32>
    %reduce_min3A_142 = vector.multi_reduction <minimumf>, %get3A_140, %reduce_min3A_141 [1] : vector<256x1024xf32> to vector<256xf32>
    %broadcast_in_dim3A_143 = vector.shape_cast %reduce_min3A_142 : vector<256xf32> to vector<256x1xf32>
    %eq3A_144 = vector.broadcast %broadcast_in_dim3A_143 : vector<256x1xf32> to vector<256x1024xf32>
    %eq3A_145 = arith.cmpf oeq, %get3A_140, %eq3A_144 : vector<256x1024xf32>
    %jit3A_146 = arith.constant 1.024000e+03 : f32
    %broadcast_in_dim3A_147 = vector.broadcast %jit3A_146 : f32 to vector<256x1024xf32>
    %select_n3A_148 = arith.select %eq3A_145, %convert_element_type3A, %broadcast_in_dim3A_147 : vector<256x1024xi1>, vector<256x1024xf32>
    %reduce_min3A_149 = arith.constant dense<0x7F800000> : vector<256xf32>
    %reduce_min3A_150 = vector.multi_reduction <minimumf>, %select_n3A_148, %reduce_min3A_149 [1] : vector<256x1024xf32> to vector<256xf32>
    %broadcast_in_dim3A_151 = vector.shape_cast %reduce_min3A_150 : vector<256xf32> to vector<256x1xf32>
    %eq3A_152 = vector.broadcast %broadcast_in_dim3A_151 : vector<256x1xf32> to vector<256x1024xf32>
    %eq3A_153 = arith.cmpf oeq, %select_n3A_148, %eq3A_152 : vector<256x1024xf32>
    %jit3A_154 = arith.constant 0x7F800000 : f32
    %broadcast_in_dim3A_155 = vector.broadcast %jit3A_154 : f32 to vector<256x1024xf32>
    %select_n3A_156 = arith.select %eq3A_153, %broadcast_in_dim3A_155, %get3A_140 : vector<256x1024xi1>, vector<256x1024xf32>
    %swap3A_157 = arith.constant 0 : index
    %swap3A_158 = arith.constant 0 : index
    %swap3A_159 = vector.load %arg8[%swap3A_157, %swap3A_158] : memref<256x1024xf32, #tpu.memory_space<vmem>>, vector<256x1024xf32>
    tpu.vector_store %arg8[%swap3A_157, %swap3A_158], %select_n3A_156 {strides = array<i32>} : memref<256x1024xf32, #tpu.memory_space<vmem>>, vector<256x1024xf32>,
    %jit3A_160 = arith.constant 1.000000e+00 : f32
    %jit3A_161 = arith.constant 0.000000e+00 : f32
    %broadcast_in_dim3A_162 = vector.broadcast %jit3A_160 : f32 to vector<256x1024xf32>
    %broadcast_in_dim3A_163 = vector.broadcast %jit3A_161 : f32 to vector<256x1024xf32>
    %select_n3A_164 = arith.select %eq3A_153, %broadcast_in_dim3A_162, %broadcast_in_dim3A_163 : vector<256x1024xi1>, vector<256x1024xf32>
    %dot_general3A_165 = arith.constant dense<0.000000e+00> : vector<256x16xf32>
    %dot_general3A_166 = tpu.matmul %select_n3A_164, %concatenate3A, %dot_general3A_165 {dimension_numbers = #tpu.dot_dimension_numbers<[1], [0], [0], [1], [0, 0, 1, 1], [], []>, transpose_lhs_hint = false} : vector<256x1024xf32>, vector<1024x16xf32>, vector<256x16xf32> -> vector<256x16xf32>
    %slice3A_167 = vector.extract_strided_slice %dot_general3A_166 {offsets = [0, 0], sizes = [256, 3], strides = [1, 1]} : vector<256x16xf32> to vector<256x3xf32>
    %slice3A_168 = vector.extract_strided_slice %dot_general3A_166 {offsets = [0, 8], sizes = [256, 3], strides = [1, 1]} : vector<256x16xf32> to vector<256x3xf32>
    %add3A_169 = arith.addf %slice3A_167, %slice3A_168 : vector<256x3xf32>
    %swap3A_170 = arith.constant 0 : index
    %swap3A_171 = arith.constant 6 : index
    %swap3A_172 = vector.load %arg9[%swap3A_170, %swap3A_171] : memref<256x48xf32, #tpu.memory_space<vmem>>, vector<256x3xf32>
    tpu.vector_store %arg9[%swap3A_170, %swap3A_171], %add3A_169 {strides = array<i32>} : memref<256x48xf32, #tpu.memory_space<vmem>>, vector<256x3xf32>,
    %convert_element_type3A_173 = arith.fptosi %broadcast_in_dim3A_151 : vector<256x1xf32> to vector<256x1xi32>
    %add3A_174 = arith.constant 0 : i32
    %add3A_175 = arith.addi %arg0, %add3A_174 : i32
    %mul3A_176 = arith.constant 1024 : i32
    %mul3A_177 = arith.muli %add3A_175, %mul3A_176 : i32
    %add3A_178 = vector.broadcast %mul3A_177 : i32 to vector<256x1xi32>
    %add3A_179 = arith.addi %convert_element_type3A_173, %add3A_178 : vector<256x1xi32>
    %swap3A_180 = arith.constant 0 : index
    %swap3A_181 = arith.constant 0 : index
    %swap3A_182 = arith.constant 2 : index
    %swap3A_183 = vector.load %arg7[%swap3A_180, %swap3A_181, %swap3A_182] : memref<1x256x16xi32, #tpu.memory_space<vmem>>, vector<1x256x1xi32>
    %swap3A_184 = vector.shape_cast %swap3A_183 : vector<1x256x1xi32> to vector<256x1xi32>
    %swap3A_185 = vector.shape_cast %add3A_179 : vector<256x1xi32> to vector<1x256x1xi32>
    tpu.vector_store %arg7[%swap3A_180, %swap3A_181, %swap3A_182], %swap3A_185 {strides = array<i32>} : memref<1x256x16xi32, #tpu.memory_space<vmem>>, vector<1x256x1xi32>,
    %get3A_186 = arith.constant 0 : index
    %get3A_187 = arith.constant 0 : index
    %get3A_188 = vector.load %arg8[%get3A_186, %get3A_187] : memref<256x1024xf32, #tpu.memory_space<vmem>>, vector<256x1024xf32>
    %reduce_min3A_189 = arith.constant dense<0x7F800000> : vector<256xf32>
    %reduce_min3A_190 = vector.multi_reduction <minimumf>, %get3A_188, %reduce_min3A_189 [1] : vector<256x1024xf32> to vector<256xf32>
    %broadcast_in_dim3A_191 = vector.shape_cast %reduce_min3A_190 : vector<256xf32> to vector<256x1xf32>
    %eq3A_192 = vector.broadcast %broadcast_in_dim3A_191 : vector<256x1xf32> to vector<256x1024xf32>
    %eq3A_193 = arith.cmpf oeq, %get3A_188, %eq3A_192 : vector<256x1024xf32>
    %jit3A_194 = arith.constant 1.024000e+03 : f32
    %broadcast_in_dim3A_195 = vector.broadcast %jit3A_194 : f32 to vector<256x1024xf32>
    %select_n3A_196 = arith.select %eq3A_193, %convert_element_type3A, %broadcast_in_dim3A_195 : vector<256x1024xi1>, vector<256x1024xf32>
    %reduce_min3A_197 = arith.constant dense<0x7F800000> : vector<256xf32>
    %reduce_min3A_198 = vector.multi_reduction <minimumf>, %select_n3A_196, %reduce_min3A_197 [1] : vector<256x1024xf32> to vector<256xf32>
    %broadcast_in_dim3A_199 = vector.shape_cast %reduce_min3A_198 : vector<256xf32> to vector<256x1xf32>
    %eq3A_200 = vector.broadcast %broadcast_in_dim3A_199 : vector<256x1xf32> to vector<256x1024xf32>
    %eq3A_201 = arith.cmpf oeq, %select_n3A_196, %eq3A_200 : vector<256x1024xf32>
    %jit3A_202 = arith.constant 0x7F800000 : f32
    %broadcast_in_dim3A_203 = vector.broadcast %jit3A_202 : f32 to vector<256x1024xf32>
    %select_n3A_204 = arith.select %eq3A_201, %broadcast_in_dim3A_203, %get3A_188 : vector<256x1024xi1>, vector<256x1024xf32>
    %swap3A_205 = arith.constant 0 : index
    %swap3A_206 = arith.constant 0 : index
    %swap3A_207 = vector.load %arg8[%swap3A_205, %swap3A_206] : memref<256x1024xf32, #tpu.memory_space<vmem>>, vector<256x1024xf32>
    tpu.vector_store %arg8[%swap3A_205, %swap3A_206], %select_n3A_204 {strides = array<i32>} : memref<256x1024xf32, #tpu.memory_space<vmem>>, vector<256x1024xf32>,
    %jit3A_208 = arith.constant 1.000000e+00 : f32
    %jit3A_209 = arith.constant 0.000000e+00 : f32
    %broadcast_in_dim3A_210 = vector.broadcast %jit3A_208 : f32 to vector<256x1024xf32>
    %broadcast_in_dim3A_211 = vector.broadcast %jit3A_209 : f32 to vector<256x1024xf32>
    %select_n3A_212 = arith.select %eq3A_201, %broadcast_in_dim3A_210, %broadcast_in_dim3A_211 : vector<256x1024xi1>, vector<256x1024xf32>
    %dot_general3A_213 = arith.constant dense<0.000000e+00> : vector<256x16xf32>
    %dot_general3A_214 = tpu.matmul %select_n3A_212, %concatenate3A, %dot_general3A_213 {dimension_numbers = #tpu.dot_dimension_numbers<[1], [0], [0], [1], [0, 0, 1, 1], [], []>, transpose_lhs_hint = false} : vector<256x1024xf32>, vector<1024x16xf32>, vector<256x16xf32> -> vector<256x16xf32>
    %slice3A_215 = vector.extract_strided_slice %dot_general3A_214 {offsets = [0, 0], sizes = [256, 3], strides = [1, 1]} : vector<256x16xf32> to vector<256x3xf32>
    %slice3A_216 = vector.extract_strided_slice %dot_general3A_214 {offsets = [0, 8], sizes = [256, 3], strides = [1, 1]} : vector<256x16xf32> to vector<256x3xf32>
    %add3A_217 = arith.addf %slice3A_215, %slice3A_216 : vector<256x3xf32>
    %swap3A_218 = arith.constant 0 : index
    %swap3A_219 = arith.constant 9 : index
    %swap3A_220 = vector.load %arg9[%swap3A_218, %swap3A_219] : memref<256x48xf32, #tpu.memory_space<vmem>>, vector<256x3xf32>
    tpu.vector_store %arg9[%swap3A_218, %swap3A_219], %add3A_217 {strides = array<i32>} : memref<256x48xf32, #tpu.memory_space<vmem>>, vector<256x3xf32>,
    %convert_element_type3A_221 = arith.fptosi %broadcast_in_dim3A_199 : vector<256x1xf32> to vector<256x1xi32>
    %add3A_222 = arith.constant 0 : i32
    %add3A_223 = arith.addi %arg0, %add3A_222 : i32
    %mul3A_224 = arith.constant 1024 : i32
    %mul3A_225 = arith.muli %add3A_223, %mul3A_224 : i32
    %add3A_226 = vector.broadcast %mul3A_225 : i32 to vector<256x1xi32>
    %add3A_227 = arith.addi %convert_element_type3A_221, %add3A_226 : vector<256x1xi32>
    %swap3A_228 = arith.constant 0 : index
    %swap3A_229 = arith.constant 0 : index
    %swap3A_230 = arith.constant 3 : index
    %swap3A_231 = vector.load %arg7[%swap3A_228, %swap3A_229, %swap3A_230] : memref<1x256x16xi32, #tpu.memory_space<vmem>>, vector<1x256x1xi32>
    %swap3A_232 = vector.shape_cast %swap3A_231 : vector<1x256x1xi32> to vector<256x1xi32>
    %swap3A_233 = vector.shape_cast %add3A_227 : vector<256x1xi32> to vector<1x256x1xi32>
    tpu.vector_store %arg7[%swap3A_228, %swap3A_229, %swap3A_230], %swap3A_233 {strides = array<i32>} : memref<1x256x16xi32, #tpu.memory_space<vmem>>, vector<1x256x1xi32>,
    %get3A_234 = arith.constant 0 : index
    %get3A_235 = arith.constant 0 : index
    %get3A_236 = vector.load %arg8[%get3A_234, %get3A_235] : memref<256x1024xf32, #tpu.memory_space<vmem>>, vector<256x1024xf32>
    %reduce_min3A_237 = arith.constant dense<0x7F800000> : vector<256xf32>
    %reduce_min3A_238 = vector.multi_reduction <minimumf>, %get3A_236, %reduce_min3A_237 [1] : vector<256x1024xf32> to vector<256xf32>
    %broadcast_in_dim3A_239 = vector.shape_cast %reduce_min3A_238 : vector<256xf32> to vector<256x1xf32>
    %eq3A_240 = vector.broadcast %broadcast_in_dim3A_239 : vector<256x1xf32> to vector<256x1024xf32>
    %eq3A_241 = arith.cmpf oeq, %get3A_236, %eq3A_240 : vector<256x1024xf32>
    %jit3A_242 = arith.constant 1.024000e+03 : f32
    %broadcast_in_dim3A_243 = vector.broadcast %jit3A_242 : f32 to vector<256x1024xf32>
    %select_n3A_244 = arith.select %eq3A_241, %convert_element_type3A, %broadcast_in_dim3A_243 : vector<256x1024xi1>, vector<256x1024xf32>
    %reduce_min3A_245 = arith.constant dense<0x7F800000> : vector<256xf32>
    %reduce_min3A_246 = vector.multi_reduction <minimumf>, %select_n3A_244, %reduce_min3A_245 [1] : vector<256x1024xf32> to vector<256xf32>
    %broadcast_in_dim3A_247 = vector.shape_cast %reduce_min3A_246 : vector<256xf32> to vector<256x1xf32>
    %eq3A_248 = vector.broadcast %broadcast_in_dim3A_247 : vector<256x1xf32> to vector<256x1024xf32>
    %eq3A_249 = arith.cmpf oeq, %select_n3A_244, %eq3A_248 : vector<256x1024xf32>
    %jit3A_250 = arith.constant 0x7F800000 : f32
    %broadcast_in_dim3A_251 = vector.broadcast %jit3A_250 : f32 to vector<256x1024xf32>
    %select_n3A_252 = arith.select %eq3A_249, %broadcast_in_dim3A_251, %get3A_236 : vector<256x1024xi1>, vector<256x1024xf32>
    %swap3A_253 = arith.constant 0 : index
    %swap3A_254 = arith.constant 0 : index
    %swap3A_255 = vector.load %arg8[%swap3A_253, %swap3A_254] : memref<256x1024xf32, #tpu.memory_space<vmem>>, vector<256x1024xf32>
    tpu.vector_store %arg8[%swap3A_253, %swap3A_254], %select_n3A_252 {strides = array<i32>} : memref<256x1024xf32, #tpu.memory_space<vmem>>, vector<256x1024xf32>,
    %jit3A_256 = arith.constant 1.000000e+00 : f32
    %jit3A_257 = arith.constant 0.000000e+00 : f32
    %broadcast_in_dim3A_258 = vector.broadcast %jit3A_256 : f32 to vector<256x1024xf32>
    %broadcast_in_dim3A_259 = vector.broadcast %jit3A_257 : f32 to vector<256x1024xf32>
    %select_n3A_260 = arith.select %eq3A_249, %broadcast_in_dim3A_258, %broadcast_in_dim3A_259 : vector<256x1024xi1>, vector<256x1024xf32>
    %dot_general3A_261 = arith.constant dense<0.000000e+00> : vector<256x16xf32>
    %dot_general3A_262 = tpu.matmul %select_n3A_260, %concatenate3A, %dot_general3A_261 {dimension_numbers = #tpu.dot_dimension_numbers<[1], [0], [0], [1], [0, 0, 1, 1], [], []>, transpose_lhs_hint = false} : vector<256x1024xf32>, vector<1024x16xf32>, vector<256x16xf32> -> vector<256x16xf32>
    %slice3A_263 = vector.extract_strided_slice %dot_general3A_262 {offsets = [0, 0], sizes = [256, 3], strides = [1, 1]} : vector<256x16xf32> to vector<256x3xf32>
    %slice3A_264 = vector.extract_strided_slice %dot_general3A_262 {offsets = [0, 8], sizes = [256, 3], strides = [1, 1]} : vector<256x16xf32> to vector<256x3xf32>
    %add3A_265 = arith.addf %slice3A_263, %slice3A_264 : vector<256x3xf32>
    %swap3A_266 = arith.constant 0 : index
    %swap3A_267 = arith.constant 12 : index
    %swap3A_268 = vector.load %arg9[%swap3A_266, %swap3A_267] : memref<256x48xf32, #tpu.memory_space<vmem>>, vector<256x3xf32>
    tpu.vector_store %arg9[%swap3A_266, %swap3A_267], %add3A_265 {strides = array<i32>} : memref<256x48xf32, #tpu.memory_space<vmem>>, vector<256x3xf32>,
    %convert_element_type3A_269 = arith.fptosi %broadcast_in_dim3A_247 : vector<256x1xf32> to vector<256x1xi32>
    %add3A_270 = arith.constant 0 : i32
    %add3A_271 = arith.addi %arg0, %add3A_270 : i32
    %mul3A_272 = arith.constant 1024 : i32
    %mul3A_273 = arith.muli %add3A_271, %mul3A_272 : i32
    %add3A_274 = vector.broadcast %mul3A_273 : i32 to vector<256x1xi32>
    %add3A_275 = arith.addi %convert_element_type3A_269, %add3A_274 : vector<256x1xi32>
    %swap3A_276 = arith.constant 0 : index
    %swap3A_277 = arith.constant 0 : index
    %swap3A_278 = arith.constant 4 : index
    %swap3A_279 = vector.load %arg7[%swap3A_276, %swap3A_277, %swap3A_278] : memref<1x256x16xi32, #tpu.memory_space<vmem>>, vector<1x256x1xi32>
    %swap3A_280 = vector.shape_cast %swap3A_279 : vector<1x256x1xi32> to vector<256x1xi32>
    %swap3A_281 = vector.shape_cast %add3A_275 : vector<256x1xi32> to vector<1x256x1xi32>
    tpu.vector_store %arg7[%swap3A_276, %swap3A_277, %swap3A_278], %swap3A_281 {strides = array<i32>} : memref<1x256x16xi32, #tpu.memory_space<vmem>>, vector<1x256x1xi32>,
    %get3A_282 = arith.constant 0 : index
    %get3A_283 = arith.constant 0 : index
    %get3A_284 = vector.load %arg8[%get3A_282, %get3A_283] : memref<256x1024xf32, #tpu.memory_space<vmem>>, vector<256x1024xf32>
    %reduce_min3A_285 = arith.constant dense<0x7F800000> : vector<256xf32>
    %reduce_min3A_286 = vector.multi_reduction <minimumf>, %get3A_284, %reduce_min3A_285 [1] : vector<256x1024xf32> to vector<256xf32>
    %broadcast_in_dim3A_287 = vector.shape_cast %reduce_min3A_286 : vector<256xf32> to vector<256x1xf32>
    %eq3A_288 = vector.broadcast %broadcast_in_dim3A_287 : vector<256x1xf32> to vector<256x1024xf32>
    %eq3A_289 = arith.cmpf oeq, %get3A_284, %eq3A_288 : vector<256x1024xf32>
    %jit3A_290 = arith.constant 1.024000e+03 : f32
    %broadcast_in_dim3A_291 = vector.broadcast %jit3A_290 : f32 to vector<256x1024xf32>
    %select_n3A_292 = arith.select %eq3A_289, %convert_element_type3A, %broadcast_in_dim3A_291 : vector<256x1024xi1>, vector<256x1024xf32>
    %reduce_min3A_293 = arith.constant dense<0x7F800000> : vector<256xf32>
    %reduce_min3A_294 = vector.multi_reduction <minimumf>, %select_n3A_292, %reduce_min3A_293 [1] : vector<256x1024xf32> to vector<256xf32>
    %broadcast_in_dim3A_295 = vector.shape_cast %reduce_min3A_294 : vector<256xf32> to vector<256x1xf32>
    %eq3A_296 = vector.broadcast %broadcast_in_dim3A_295 : vector<256x1xf32> to vector<256x1024xf32>
    %eq3A_297 = arith.cmpf oeq, %select_n3A_292, %eq3A_296 : vector<256x1024xf32>
    %jit3A_298 = arith.constant 0x7F800000 : f32
    %broadcast_in_dim3A_299 = vector.broadcast %jit3A_298 : f32 to vector<256x1024xf32>
    %select_n3A_300 = arith.select %eq3A_297, %broadcast_in_dim3A_299, %get3A_284 : vector<256x1024xi1>, vector<256x1024xf32>
    %swap3A_301 = arith.constant 0 : index
    %swap3A_302 = arith.constant 0 : index
    %swap3A_303 = vector.load %arg8[%swap3A_301, %swap3A_302] : memref<256x1024xf32, #tpu.memory_space<vmem>>, vector<256x1024xf32>
    tpu.vector_store %arg8[%swap3A_301, %swap3A_302], %select_n3A_300 {strides = array<i32>} : memref<256x1024xf32, #tpu.memory_space<vmem>>, vector<256x1024xf32>,
    %jit3A_304 = arith.constant 1.000000e+00 : f32
    %jit3A_305 = arith.constant 0.000000e+00 : f32
    %broadcast_in_dim3A_306 = vector.broadcast %jit3A_304 : f32 to vector<256x1024xf32>
    %broadcast_in_dim3A_307 = vector.broadcast %jit3A_305 : f32 to vector<256x1024xf32>
    %select_n3A_308 = arith.select %eq3A_297, %broadcast_in_dim3A_306, %broadcast_in_dim3A_307 : vector<256x1024xi1>, vector<256x1024xf32>
    %dot_general3A_309 = arith.constant dense<0.000000e+00> : vector<256x16xf32>
    %dot_general3A_310 = tpu.matmul %select_n3A_308, %concatenate3A, %dot_general3A_309 {dimension_numbers = #tpu.dot_dimension_numbers<[1], [0], [0], [1], [0, 0, 1, 1], [], []>, transpose_lhs_hint = false} : vector<256x1024xf32>, vector<1024x16xf32>, vector<256x16xf32> -> vector<256x16xf32>
    %slice3A_311 = vector.extract_strided_slice %dot_general3A_310 {offsets = [0, 0], sizes = [256, 3], strides = [1, 1]} : vector<256x16xf32> to vector<256x3xf32>
    %slice3A_312 = vector.extract_strided_slice %dot_general3A_310 {offsets = [0, 8], sizes = [256, 3], strides = [1, 1]} : vector<256x16xf32> to vector<256x3xf32>
    %add3A_313 = arith.addf %slice3A_311, %slice3A_312 : vector<256x3xf32>
    %swap3A_314 = arith.constant 0 : index
    %swap3A_315 = arith.constant 15 : index
    %swap3A_316 = vector.load %arg9[%swap3A_314, %swap3A_315] : memref<256x48xf32, #tpu.memory_space<vmem>>, vector<256x3xf32>
    tpu.vector_store %arg9[%swap3A_314, %swap3A_315], %add3A_313 {strides = array<i32>} : memref<256x48xf32, #tpu.memory_space<vmem>>, vector<256x3xf32>,
    %convert_element_type3A_317 = arith.fptosi %broadcast_in_dim3A_295 : vector<256x1xf32> to vector<256x1xi32>
    %add3A_318 = arith.constant 0 : i32
    %add3A_319 = arith.addi %arg0, %add3A_318 : i32
    %mul3A_320 = arith.constant 1024 : i32
    %mul3A_321 = arith.muli %add3A_319, %mul3A_320 : i32
    %add3A_322 = vector.broadcast %mul3A_321 : i32 to vector<256x1xi32>
    %add3A_323 = arith.addi %convert_element_type3A_317, %add3A_322 : vector<256x1xi32>
    %swap3A_324 = arith.constant 0 : index
    %swap3A_325 = arith.constant 0 : index
    %swap3A_326 = arith.constant 5 : index
    %swap3A_327 = vector.load %arg7[%swap3A_324, %swap3A_325, %swap3A_326] : memref<1x256x16xi32, #tpu.memory_space<vmem>>, vector<1x256x1xi32>
    %swap3A_328 = vector.shape_cast %swap3A_327 : vector<1x256x1xi32> to vector<256x1xi32>
    %swap3A_329 = vector.shape_cast %add3A_323 : vector<256x1xi32> to vector<1x256x1xi32>
    tpu.vector_store %arg7[%swap3A_324, %swap3A_325, %swap3A_326], %swap3A_329 {strides = array<i32>} : memref<1x256x16xi32, #tpu.memory_space<vmem>>, vector<1x256x1xi32>,
    %get3A_330 = arith.constant 0 : index
    %get3A_331 = arith.constant 0 : index
    %get3A_332 = vector.load %arg8[%get3A_330, %get3A_331] : memref<256x1024xf32, #tpu.memory_space<vmem>>, vector<256x1024xf32>
    %reduce_min3A_333 = arith.constant dense<0x7F800000> : vector<256xf32>
    %reduce_min3A_334 = vector.multi_reduction <minimumf>, %get3A_332, %reduce_min3A_333 [1] : vector<256x1024xf32> to vector<256xf32>
    %broadcast_in_dim3A_335 = vector.shape_cast %reduce_min3A_334 : vector<256xf32> to vector<256x1xf32>
    %eq3A_336 = vector.broadcast %broadcast_in_dim3A_335 : vector<256x1xf32> to vector<256x1024xf32>
    %eq3A_337 = arith.cmpf oeq, %get3A_332, %eq3A_336 : vector<256x1024xf32>
    %jit3A_338 = arith.constant 1.024000e+03 : f32
    %broadcast_in_dim3A_339 = vector.broadcast %jit3A_338 : f32 to vector<256x1024xf32>
    %select_n3A_340 = arith.select %eq3A_337, %convert_element_type3A, %broadcast_in_dim3A_339 : vector<256x1024xi1>, vector<256x1024xf32>
    %reduce_min3A_341 = arith.constant dense<0x7F800000> : vector<256xf32>
    %reduce_min3A_342 = vector.multi_reduction <minimumf>, %select_n3A_340, %reduce_min3A_341 [1] : vector<256x1024xf32> to vector<256xf32>
    %broadcast_in_dim3A_343 = vector.shape_cast %reduce_min3A_342 : vector<256xf32> to vector<256x1xf32>
    %eq3A_344 = vector.broadcast %broadcast_in_dim3A_343 : vector<256x1xf32> to vector<256x1024xf32>
    %eq3A_345 = arith.cmpf oeq, %select_n3A_340, %eq3A_344 : vector<256x1024xf32>
    %jit3A_346 = arith.constant 0x7F800000 : f32
    %broadcast_in_dim3A_347 = vector.broadcast %jit3A_346 : f32 to vector<256x1024xf32>
    %select_n3A_348 = arith.select %eq3A_345, %broadcast_in_dim3A_347, %get3A_332 : vector<256x1024xi1>, vector<256x1024xf32>
    %swap3A_349 = arith.constant 0 : index
    %swap3A_350 = arith.constant 0 : index
    %swap3A_351 = vector.load %arg8[%swap3A_349, %swap3A_350] : memref<256x1024xf32, #tpu.memory_space<vmem>>, vector<256x1024xf32>
    tpu.vector_store %arg8[%swap3A_349, %swap3A_350], %select_n3A_348 {strides = array<i32>} : memref<256x1024xf32, #tpu.memory_space<vmem>>, vector<256x1024xf32>,
    %jit3A_352 = arith.constant 1.000000e+00 : f32
    %jit3A_353 = arith.constant 0.000000e+00 : f32
    %broadcast_in_dim3A_354 = vector.broadcast %jit3A_352 : f32 to vector<256x1024xf32>
    %broadcast_in_dim3A_355 = vector.broadcast %jit3A_353 : f32 to vector<256x1024xf32>
    %select_n3A_356 = arith.select %eq3A_345, %broadcast_in_dim3A_354, %broadcast_in_dim3A_355 : vector<256x1024xi1>, vector<256x1024xf32>
    %dot_general3A_357 = arith.constant dense<0.000000e+00> : vector<256x16xf32>
    %dot_general3A_358 = tpu.matmul %select_n3A_356, %concatenate3A, %dot_general3A_357 {dimension_numbers = #tpu.dot_dimension_numbers<[1], [0], [0], [1], [0, 0, 1, 1], [], []>, transpose_lhs_hint = false} : vector<256x1024xf32>, vector<1024x16xf32>, vector<256x16xf32> -> vector<256x16xf32>
    %slice3A_359 = vector.extract_strided_slice %dot_general3A_358 {offsets = [0, 0], sizes = [256, 3], strides = [1, 1]} : vector<256x16xf32> to vector<256x3xf32>
    %slice3A_360 = vector.extract_strided_slice %dot_general3A_358 {offsets = [0, 8], sizes = [256, 3], strides = [1, 1]} : vector<256x16xf32> to vector<256x3xf32>
    %add3A_361 = arith.addf %slice3A_359, %slice3A_360 : vector<256x3xf32>
    %swap3A_362 = arith.constant 0 : index
    %swap3A_363 = arith.constant 18 : index
    %swap3A_364 = vector.load %arg9[%swap3A_362, %swap3A_363] : memref<256x48xf32, #tpu.memory_space<vmem>>, vector<256x3xf32>
    tpu.vector_store %arg9[%swap3A_362, %swap3A_363], %add3A_361 {strides = array<i32>} : memref<256x48xf32, #tpu.memory_space<vmem>>, vector<256x3xf32>,
    %convert_element_type3A_365 = arith.fptosi %broadcast_in_dim3A_343 : vector<256x1xf32> to vector<256x1xi32>
    %add3A_366 = arith.constant 0 : i32
    %add3A_367 = arith.addi %arg0, %add3A_366 : i32
    %mul3A_368 = arith.constant 1024 : i32
    %mul3A_369 = arith.muli %add3A_367, %mul3A_368 : i32
    %add3A_370 = vector.broadcast %mul3A_369 : i32 to vector<256x1xi32>
    %add3A_371 = arith.addi %convert_element_type3A_365, %add3A_370 : vector<256x1xi32>
    %swap3A_372 = arith.constant 0 : index
    %swap3A_373 = arith.constant 0 : index
    %swap3A_374 = arith.constant 6 : index
    %swap3A_375 = vector.load %arg7[%swap3A_372, %swap3A_373, %swap3A_374] : memref<1x256x16xi32, #tpu.memory_space<vmem>>, vector<1x256x1xi32>
    %swap3A_376 = vector.shape_cast %swap3A_375 : vector<1x256x1xi32> to vector<256x1xi32>
    %swap3A_377 = vector.shape_cast %add3A_371 : vector<256x1xi32> to vector<1x256x1xi32>
    tpu.vector_store %arg7[%swap3A_372, %swap3A_373, %swap3A_374], %swap3A_377 {strides = array<i32>} : memref<1x256x16xi32, #tpu.memory_space<vmem>>, vector<1x256x1xi32>,
    %get3A_378 = arith.constant 0 : index
    %get3A_379 = arith.constant 0 : index
    %get3A_380 = vector.load %arg8[%get3A_378, %get3A_379] : memref<256x1024xf32, #tpu.memory_space<vmem>>, vector<256x1024xf32>
    %reduce_min3A_381 = arith.constant dense<0x7F800000> : vector<256xf32>
    %reduce_min3A_382 = vector.multi_reduction <minimumf>, %get3A_380, %reduce_min3A_381 [1] : vector<256x1024xf32> to vector<256xf32>
    %broadcast_in_dim3A_383 = vector.shape_cast %reduce_min3A_382 : vector<256xf32> to vector<256x1xf32>
    %eq3A_384 = vector.broadcast %broadcast_in_dim3A_383 : vector<256x1xf32> to vector<256x1024xf32>
    %eq3A_385 = arith.cmpf oeq, %get3A_380, %eq3A_384 : vector<256x1024xf32>
    %jit3A_386 = arith.constant 1.024000e+03 : f32
    %broadcast_in_dim3A_387 = vector.broadcast %jit3A_386 : f32 to vector<256x1024xf32>
    %select_n3A_388 = arith.select %eq3A_385, %convert_element_type3A, %broadcast_in_dim3A_387 : vector<256x1024xi1>, vector<256x1024xf32>
    %reduce_min3A_389 = arith.constant dense<0x7F800000> : vector<256xf32>
    %reduce_min3A_390 = vector.multi_reduction <minimumf>, %select_n3A_388, %reduce_min3A_389 [1] : vector<256x1024xf32> to vector<256xf32>
    %broadcast_in_dim3A_391 = vector.shape_cast %reduce_min3A_390 : vector<256xf32> to vector<256x1xf32>
    %eq3A_392 = vector.broadcast %broadcast_in_dim3A_391 : vector<256x1xf32> to vector<256x1024xf32>
    %eq3A_393 = arith.cmpf oeq, %select_n3A_388, %eq3A_392 : vector<256x1024xf32>
    %jit3A_394 = arith.constant 0x7F800000 : f32
    %broadcast_in_dim3A_395 = vector.broadcast %jit3A_394 : f32 to vector<256x1024xf32>
    %select_n3A_396 = arith.select %eq3A_393, %broadcast_in_dim3A_395, %get3A_380 : vector<256x1024xi1>, vector<256x1024xf32>
    %swap3A_397 = arith.constant 0 : index
    %swap3A_398 = arith.constant 0 : index
    %swap3A_399 = vector.load %arg8[%swap3A_397, %swap3A_398] : memref<256x1024xf32, #tpu.memory_space<vmem>>, vector<256x1024xf32>
    tpu.vector_store %arg8[%swap3A_397, %swap3A_398], %select_n3A_396 {strides = array<i32>} : memref<256x1024xf32, #tpu.memory_space<vmem>>, vector<256x1024xf32>,
    %jit3A_400 = arith.constant 1.000000e+00 : f32
    %jit3A_401 = arith.constant 0.000000e+00 : f32
    %broadcast_in_dim3A_402 = vector.broadcast %jit3A_400 : f32 to vector<256x1024xf32>
    %broadcast_in_dim3A_403 = vector.broadcast %jit3A_401 : f32 to vector<256x1024xf32>
    %select_n3A_404 = arith.select %eq3A_393, %broadcast_in_dim3A_402, %broadcast_in_dim3A_403 : vector<256x1024xi1>, vector<256x1024xf32>
    %dot_general3A_405 = arith.constant dense<0.000000e+00> : vector<256x16xf32>
    %dot_general3A_406 = tpu.matmul %select_n3A_404, %concatenate3A, %dot_general3A_405 {dimension_numbers = #tpu.dot_dimension_numbers<[1], [0], [0], [1], [0, 0, 1, 1], [], []>, transpose_lhs_hint = false} : vector<256x1024xf32>, vector<1024x16xf32>, vector<256x16xf32> -> vector<256x16xf32>
    %slice3A_407 = vector.extract_strided_slice %dot_general3A_406 {offsets = [0, 0], sizes = [256, 3], strides = [1, 1]} : vector<256x16xf32> to vector<256x3xf32>
    %slice3A_408 = vector.extract_strided_slice %dot_general3A_406 {offsets = [0, 8], sizes = [256, 3], strides = [1, 1]} : vector<256x16xf32> to vector<256x3xf32>
    %add3A_409 = arith.addf %slice3A_407, %slice3A_408 : vector<256x3xf32>
    %swap3A_410 = arith.constant 0 : index
    %swap3A_411 = arith.constant 21 : index
    %swap3A_412 = vector.load %arg9[%swap3A_410, %swap3A_411] : memref<256x48xf32, #tpu.memory_space<vmem>>, vector<256x3xf32>
    tpu.vector_store %arg9[%swap3A_410, %swap3A_411], %add3A_409 {strides = array<i32>} : memref<256x48xf32, #tpu.memory_space<vmem>>, vector<256x3xf32>,
    %convert_element_type3A_413 = arith.fptosi %broadcast_in_dim3A_391 : vector<256x1xf32> to vector<256x1xi32>
    %add3A_414 = arith.constant 0 : i32
    %add3A_415 = arith.addi %arg0, %add3A_414 : i32
    %mul3A_416 = arith.constant 1024 : i32
    %mul3A_417 = arith.muli %add3A_415, %mul3A_416 : i32
    %add3A_418 = vector.broadcast %mul3A_417 : i32 to vector<256x1xi32>
    %add3A_419 = arith.addi %convert_element_type3A_413, %add3A_418 : vector<256x1xi32>
    %swap3A_420 = arith.constant 0 : index
    %swap3A_421 = arith.constant 0 : index
    %swap3A_422 = arith.constant 7 : index
    %swap3A_423 = vector.load %arg7[%swap3A_420, %swap3A_421, %swap3A_422] : memref<1x256x16xi32, #tpu.memory_space<vmem>>, vector<1x256x1xi32>
    %swap3A_424 = vector.shape_cast %swap3A_423 : vector<1x256x1xi32> to vector<256x1xi32>
    %swap3A_425 = vector.shape_cast %add3A_419 : vector<256x1xi32> to vector<1x256x1xi32>
    tpu.vector_store %arg7[%swap3A_420, %swap3A_421, %swap3A_422], %swap3A_425 {strides = array<i32>} : memref<1x256x16xi32, #tpu.memory_space<vmem>>, vector<1x256x1xi32>,
    %get3A_426 = arith.constant 0 : index
    %get3A_427 = arith.constant 0 : index
    %get3A_428 = vector.load %arg8[%get3A_426, %get3A_427] : memref<256x1024xf32, #tpu.memory_space<vmem>>, vector<256x1024xf32>
    %reduce_min3A_429 = arith.constant dense<0x7F800000> : vector<256xf32>
    %reduce_min3A_430 = vector.multi_reduction <minimumf>, %get3A_428, %reduce_min3A_429 [1] : vector<256x1024xf32> to vector<256xf32>
    %broadcast_in_dim3A_431 = vector.shape_cast %reduce_min3A_430 : vector<256xf32> to vector<256x1xf32>
    %eq3A_432 = vector.broadcast %broadcast_in_dim3A_431 : vector<256x1xf32> to vector<256x1024xf32>
    %eq3A_433 = arith.cmpf oeq, %get3A_428, %eq3A_432 : vector<256x1024xf32>
    %jit3A_434 = arith.constant 1.024000e+03 : f32
    %broadcast_in_dim3A_435 = vector.broadcast %jit3A_434 : f32 to vector<256x1024xf32>
    %select_n3A_436 = arith.select %eq3A_433, %convert_element_type3A, %broadcast_in_dim3A_435 : vector<256x1024xi1>, vector<256x1024xf32>
    %reduce_min3A_437 = arith.constant dense<0x7F800000> : vector<256xf32>
    %reduce_min3A_438 = vector.multi_reduction <minimumf>, %select_n3A_436, %reduce_min3A_437 [1] : vector<256x1024xf32> to vector<256xf32>
    %broadcast_in_dim3A_439 = vector.shape_cast %reduce_min3A_438 : vector<256xf32> to vector<256x1xf32>
    %eq3A_440 = vector.broadcast %broadcast_in_dim3A_439 : vector<256x1xf32> to vector<256x1024xf32>
    %eq3A_441 = arith.cmpf oeq, %select_n3A_436, %eq3A_440 : vector<256x1024xf32>
    %jit3A_442 = arith.constant 0x7F800000 : f32
    %broadcast_in_dim3A_443 = vector.broadcast %jit3A_442 : f32 to vector<256x1024xf32>
    %select_n3A_444 = arith.select %eq3A_441, %broadcast_in_dim3A_443, %get3A_428 : vector<256x1024xi1>, vector<256x1024xf32>
    %swap3A_445 = arith.constant 0 : index
    %swap3A_446 = arith.constant 0 : index
    %swap3A_447 = vector.load %arg8[%swap3A_445, %swap3A_446] : memref<256x1024xf32, #tpu.memory_space<vmem>>, vector<256x1024xf32>
    tpu.vector_store %arg8[%swap3A_445, %swap3A_446], %select_n3A_444 {strides = array<i32>} : memref<256x1024xf32, #tpu.memory_space<vmem>>, vector<256x1024xf32>,
    %jit3A_448 = arith.constant 1.000000e+00 : f32
    %jit3A_449 = arith.constant 0.000000e+00 : f32
    %broadcast_in_dim3A_450 = vector.broadcast %jit3A_448 : f32 to vector<256x1024xf32>
    %broadcast_in_dim3A_451 = vector.broadcast %jit3A_449 : f32 to vector<256x1024xf32>
    %select_n3A_452 = arith.select %eq3A_441, %broadcast_in_dim3A_450, %broadcast_in_dim3A_451 : vector<256x1024xi1>, vector<256x1024xf32>
    %dot_general3A_453 = arith.constant dense<0.000000e+00> : vector<256x16xf32>
    %dot_general3A_454 = tpu.matmul %select_n3A_452, %concatenate3A, %dot_general3A_453 {dimension_numbers = #tpu.dot_dimension_numbers<[1], [0], [0], [1], [0, 0, 1, 1], [], []>, transpose_lhs_hint = false} : vector<256x1024xf32>, vector<1024x16xf32>, vector<256x16xf32> -> vector<256x16xf32>
    %slice3A_455 = vector.extract_strided_slice %dot_general3A_454 {offsets = [0, 0], sizes = [256, 3], strides = [1, 1]} : vector<256x16xf32> to vector<256x3xf32>
    %slice3A_456 = vector.extract_strided_slice %dot_general3A_454 {offsets = [0, 8], sizes = [256, 3], strides = [1, 1]} : vector<256x16xf32> to vector<256x3xf32>
    %add3A_457 = arith.addf %slice3A_455, %slice3A_456 : vector<256x3xf32>
    %swap3A_458 = arith.constant 0 : index
    %swap3A_459 = arith.constant 24 : index
    %swap3A_460 = vector.load %arg9[%swap3A_458, %swap3A_459] : memref<256x48xf32, #tpu.memory_space<vmem>>, vector<256x3xf32>
    tpu.vector_store %arg9[%swap3A_458, %swap3A_459], %add3A_457 {strides = array<i32>} : memref<256x48xf32, #tpu.memory_space<vmem>>, vector<256x3xf32>,
    %convert_element_type3A_461 = arith.fptosi %broadcast_in_dim3A_439 : vector<256x1xf32> to vector<256x1xi32>
    %add3A_462 = arith.constant 0 : i32
    %add3A_463 = arith.addi %arg0, %add3A_462 : i32
    %mul3A_464 = arith.constant 1024 : i32
    %mul3A_465 = arith.muli %add3A_463, %mul3A_464 : i32
    %add3A_466 = vector.broadcast %mul3A_465 : i32 to vector<256x1xi32>
    %add3A_467 = arith.addi %convert_element_type3A_461, %add3A_466 : vector<256x1xi32>
    %swap3A_468 = arith.constant 0 : index
    %swap3A_469 = arith.constant 0 : index
    %swap3A_470 = arith.constant 8 : index
    %swap3A_471 = vector.load %arg7[%swap3A_468, %swap3A_469, %swap3A_470] : memref<1x256x16xi32, #tpu.memory_space<vmem>>, vector<1x256x1xi32>
    %swap3A_472 = vector.shape_cast %swap3A_471 : vector<1x256x1xi32> to vector<256x1xi32>
    %swap3A_473 = vector.shape_cast %add3A_467 : vector<256x1xi32> to vector<1x256x1xi32>
    tpu.vector_store %arg7[%swap3A_468, %swap3A_469, %swap3A_470], %swap3A_473 {strides = array<i32>} : memref<1x256x16xi32, #tpu.memory_space<vmem>>, vector<1x256x1xi32>,
    %get3A_474 = arith.constant 0 : index
    %get3A_475 = arith.constant 0 : index
    %get3A_476 = vector.load %arg8[%get3A_474, %get3A_475] : memref<256x1024xf32, #tpu.memory_space<vmem>>, vector<256x1024xf32>
    %reduce_min3A_477 = arith.constant dense<0x7F800000> : vector<256xf32>
    %reduce_min3A_478 = vector.multi_reduction <minimumf>, %get3A_476, %reduce_min3A_477 [1] : vector<256x1024xf32> to vector<256xf32>
    %broadcast_in_dim3A_479 = vector.shape_cast %reduce_min3A_478 : vector<256xf32> to vector<256x1xf32>
    %eq3A_480 = vector.broadcast %broadcast_in_dim3A_479 : vector<256x1xf32> to vector<256x1024xf32>
    %eq3A_481 = arith.cmpf oeq, %get3A_476, %eq3A_480 : vector<256x1024xf32>
    %jit3A_482 = arith.constant 1.024000e+03 : f32
    %broadcast_in_dim3A_483 = vector.broadcast %jit3A_482 : f32 to vector<256x1024xf32>
    %select_n3A_484 = arith.select %eq3A_481, %convert_element_type3A, %broadcast_in_dim3A_483 : vector<256x1024xi1>, vector<256x1024xf32>
    %reduce_min3A_485 = arith.constant dense<0x7F800000> : vector<256xf32>
    %reduce_min3A_486 = vector.multi_reduction <minimumf>, %select_n3A_484, %reduce_min3A_485 [1] : vector<256x1024xf32> to vector<256xf32>
    %broadcast_in_dim3A_487 = vector.shape_cast %reduce_min3A_486 : vector<256xf32> to vector<256x1xf32>
    %eq3A_488 = vector.broadcast %broadcast_in_dim3A_487 : vector<256x1xf32> to vector<256x1024xf32>
    %eq3A_489 = arith.cmpf oeq, %select_n3A_484, %eq3A_488 : vector<256x1024xf32>
    %jit3A_490 = arith.constant 0x7F800000 : f32
    %broadcast_in_dim3A_491 = vector.broadcast %jit3A_490 : f32 to vector<256x1024xf32>
    %select_n3A_492 = arith.select %eq3A_489, %broadcast_in_dim3A_491, %get3A_476 : vector<256x1024xi1>, vector<256x1024xf32>
    %swap3A_493 = arith.constant 0 : index
    %swap3A_494 = arith.constant 0 : index
    %swap3A_495 = vector.load %arg8[%swap3A_493, %swap3A_494] : memref<256x1024xf32, #tpu.memory_space<vmem>>, vector<256x1024xf32>
    tpu.vector_store %arg8[%swap3A_493, %swap3A_494], %select_n3A_492 {strides = array<i32>} : memref<256x1024xf32, #tpu.memory_space<vmem>>, vector<256x1024xf32>,
    %jit3A_496 = arith.constant 1.000000e+00 : f32
    %jit3A_497 = arith.constant 0.000000e+00 : f32
    %broadcast_in_dim3A_498 = vector.broadcast %jit3A_496 : f32 to vector<256x1024xf32>
    %broadcast_in_dim3A_499 = vector.broadcast %jit3A_497 : f32 to vector<256x1024xf32>
    %select_n3A_500 = arith.select %eq3A_489, %broadcast_in_dim3A_498, %broadcast_in_dim3A_499 : vector<256x1024xi1>, vector<256x1024xf32>
    %dot_general3A_501 = arith.constant dense<0.000000e+00> : vector<256x16xf32>
    %dot_general3A_502 = tpu.matmul %select_n3A_500, %concatenate3A, %dot_general3A_501 {dimension_numbers = #tpu.dot_dimension_numbers<[1], [0], [0], [1], [0, 0, 1, 1], [], []>, transpose_lhs_hint = false} : vector<256x1024xf32>, vector<1024x16xf32>, vector<256x16xf32> -> vector<256x16xf32>
    %slice3A_503 = vector.extract_strided_slice %dot_general3A_502 {offsets = [0, 0], sizes = [256, 3], strides = [1, 1]} : vector<256x16xf32> to vector<256x3xf32>
    %slice3A_504 = vector.extract_strided_slice %dot_general3A_502 {offsets = [0, 8], sizes = [256, 3], strides = [1, 1]} : vector<256x16xf32> to vector<256x3xf32>
    %add3A_505 = arith.addf %slice3A_503, %slice3A_504 : vector<256x3xf32>
    %swap3A_506 = arith.constant 0 : index
    %swap3A_507 = arith.constant 27 : index
    %swap3A_508 = vector.load %arg9[%swap3A_506, %swap3A_507] : memref<256x48xf32, #tpu.memory_space<vmem>>, vector<256x3xf32>
    tpu.vector_store %arg9[%swap3A_506, %swap3A_507], %add3A_505 {strides = array<i32>} : memref<256x48xf32, #tpu.memory_space<vmem>>, vector<256x3xf32>,
    %convert_element_type3A_509 = arith.fptosi %broadcast_in_dim3A_487 : vector<256x1xf32> to vector<256x1xi32>
    %add3A_510 = arith.constant 0 : i32
    %add3A_511 = arith.addi %arg0, %add3A_510 : i32
    %mul3A_512 = arith.constant 1024 : i32
    %mul3A_513 = arith.muli %add3A_511, %mul3A_512 : i32
    %add3A_514 = vector.broadcast %mul3A_513 : i32 to vector<256x1xi32>
    %add3A_515 = arith.addi %convert_element_type3A_509, %add3A_514 : vector<256x1xi32>
    %swap3A_516 = arith.constant 0 : index
    %swap3A_517 = arith.constant 0 : index
    %swap3A_518 = arith.constant 9 : index
    %swap3A_519 = vector.load %arg7[%swap3A_516, %swap3A_517, %swap3A_518] : memref<1x256x16xi32, #tpu.memory_space<vmem>>, vector<1x256x1xi32>
    %swap3A_520 = vector.shape_cast %swap3A_519 : vector<1x256x1xi32> to vector<256x1xi32>
    %swap3A_521 = vector.shape_cast %add3A_515 : vector<256x1xi32> to vector<1x256x1xi32>
    tpu.vector_store %arg7[%swap3A_516, %swap3A_517, %swap3A_518], %swap3A_521 {strides = array<i32>} : memref<1x256x16xi32, #tpu.memory_space<vmem>>, vector<1x256x1xi32>,
    %get3A_522 = arith.constant 0 : index
    %get3A_523 = arith.constant 0 : index
    %get3A_524 = vector.load %arg8[%get3A_522, %get3A_523] : memref<256x1024xf32, #tpu.memory_space<vmem>>, vector<256x1024xf32>
    %reduce_min3A_525 = arith.constant dense<0x7F800000> : vector<256xf32>
    %reduce_min3A_526 = vector.multi_reduction <minimumf>, %get3A_524, %reduce_min3A_525 [1] : vector<256x1024xf32> to vector<256xf32>
    %broadcast_in_dim3A_527 = vector.shape_cast %reduce_min3A_526 : vector<256xf32> to vector<256x1xf32>
    %eq3A_528 = vector.broadcast %broadcast_in_dim3A_527 : vector<256x1xf32> to vector<256x1024xf32>
    %eq3A_529 = arith.cmpf oeq, %get3A_524, %eq3A_528 : vector<256x1024xf32>
    %jit3A_530 = arith.constant 1.024000e+03 : f32
    %broadcast_in_dim3A_531 = vector.broadcast %jit3A_530 : f32 to vector<256x1024xf32>
    %select_n3A_532 = arith.select %eq3A_529, %convert_element_type3A, %broadcast_in_dim3A_531 : vector<256x1024xi1>, vector<256x1024xf32>
    %reduce_min3A_533 = arith.constant dense<0x7F800000> : vector<256xf32>
    %reduce_min3A_534 = vector.multi_reduction <minimumf>, %select_n3A_532, %reduce_min3A_533 [1] : vector<256x1024xf32> to vector<256xf32>
    %broadcast_in_dim3A_535 = vector.shape_cast %reduce_min3A_534 : vector<256xf32> to vector<256x1xf32>
    %eq3A_536 = vector.broadcast %broadcast_in_dim3A_535 : vector<256x1xf32> to vector<256x1024xf32>
    %eq3A_537 = arith.cmpf oeq, %select_n3A_532, %eq3A_536 : vector<256x1024xf32>
    %jit3A_538 = arith.constant 0x7F800000 : f32
    %broadcast_in_dim3A_539 = vector.broadcast %jit3A_538 : f32 to vector<256x1024xf32>
    %select_n3A_540 = arith.select %eq3A_537, %broadcast_in_dim3A_539, %get3A_524 : vector<256x1024xi1>, vector<256x1024xf32>
    %swap3A_541 = arith.constant 0 : index
    %swap3A_542 = arith.constant 0 : index
    %swap3A_543 = vector.load %arg8[%swap3A_541, %swap3A_542] : memref<256x1024xf32, #tpu.memory_space<vmem>>, vector<256x1024xf32>
    tpu.vector_store %arg8[%swap3A_541, %swap3A_542], %select_n3A_540 {strides = array<i32>} : memref<256x1024xf32, #tpu.memory_space<vmem>>, vector<256x1024xf32>,
    %jit3A_544 = arith.constant 1.000000e+00 : f32
    %jit3A_545 = arith.constant 0.000000e+00 : f32
    %broadcast_in_dim3A_546 = vector.broadcast %jit3A_544 : f32 to vector<256x1024xf32>
    %broadcast_in_dim3A_547 = vector.broadcast %jit3A_545 : f32 to vector<256x1024xf32>
    %select_n3A_548 = arith.select %eq3A_537, %broadcast_in_dim3A_546, %broadcast_in_dim3A_547 : vector<256x1024xi1>, vector<256x1024xf32>
    %dot_general3A_549 = arith.constant dense<0.000000e+00> : vector<256x16xf32>
    %dot_general3A_550 = tpu.matmul %select_n3A_548, %concatenate3A, %dot_general3A_549 {dimension_numbers = #tpu.dot_dimension_numbers<[1], [0], [0], [1], [0, 0, 1, 1], [], []>, transpose_lhs_hint = false} : vector<256x1024xf32>, vector<1024x16xf32>, vector<256x16xf32> -> vector<256x16xf32>
    %slice3A_551 = vector.extract_strided_slice %dot_general3A_550 {offsets = [0, 0], sizes = [256, 3], strides = [1, 1]} : vector<256x16xf32> to vector<256x3xf32>
    %slice3A_552 = vector.extract_strided_slice %dot_general3A_550 {offsets = [0, 8], sizes = [256, 3], strides = [1, 1]} : vector<256x16xf32> to vector<256x3xf32>
    %add3A_553 = arith.addf %slice3A_551, %slice3A_552 : vector<256x3xf32>
    %swap3A_554 = arith.constant 0 : index
    %swap3A_555 = arith.constant 30 : index
    %swap3A_556 = vector.load %arg9[%swap3A_554, %swap3A_555] : memref<256x48xf32, #tpu.memory_space<vmem>>, vector<256x3xf32>
    tpu.vector_store %arg9[%swap3A_554, %swap3A_555], %add3A_553 {strides = array<i32>} : memref<256x48xf32, #tpu.memory_space<vmem>>, vector<256x3xf32>,
    %convert_element_type3A_557 = arith.fptosi %broadcast_in_dim3A_535 : vector<256x1xf32> to vector<256x1xi32>
    %add3A_558 = arith.constant 0 : i32
    %add3A_559 = arith.addi %arg0, %add3A_558 : i32
    %mul3A_560 = arith.constant 1024 : i32
    %mul3A_561 = arith.muli %add3A_559, %mul3A_560 : i32
    %add3A_562 = vector.broadcast %mul3A_561 : i32 to vector<256x1xi32>
    %add3A_563 = arith.addi %convert_element_type3A_557, %add3A_562 : vector<256x1xi32>
    %swap3A_564 = arith.constant 0 : index
    %swap3A_565 = arith.constant 0 : index
    %swap3A_566 = arith.constant 10 : index
    %swap3A_567 = vector.load %arg7[%swap3A_564, %swap3A_565, %swap3A_566] : memref<1x256x16xi32, #tpu.memory_space<vmem>>, vector<1x256x1xi32>
    %swap3A_568 = vector.shape_cast %swap3A_567 : vector<1x256x1xi32> to vector<256x1xi32>
    %swap3A_569 = vector.shape_cast %add3A_563 : vector<256x1xi32> to vector<1x256x1xi32>
    tpu.vector_store %arg7[%swap3A_564, %swap3A_565, %swap3A_566], %swap3A_569 {strides = array<i32>} : memref<1x256x16xi32, #tpu.memory_space<vmem>>, vector<1x256x1xi32>,
    %get3A_570 = arith.constant 0 : index
    %get3A_571 = arith.constant 0 : index
    %get3A_572 = vector.load %arg8[%get3A_570, %get3A_571] : memref<256x1024xf32, #tpu.memory_space<vmem>>, vector<256x1024xf32>
    %reduce_min3A_573 = arith.constant dense<0x7F800000> : vector<256xf32>
    %reduce_min3A_574 = vector.multi_reduction <minimumf>, %get3A_572, %reduce_min3A_573 [1] : vector<256x1024xf32> to vector<256xf32>
    %broadcast_in_dim3A_575 = vector.shape_cast %reduce_min3A_574 : vector<256xf32> to vector<256x1xf32>
    %eq3A_576 = vector.broadcast %broadcast_in_dim3A_575 : vector<256x1xf32> to vector<256x1024xf32>
    %eq3A_577 = arith.cmpf oeq, %get3A_572, %eq3A_576 : vector<256x1024xf32>
    %jit3A_578 = arith.constant 1.024000e+03 : f32
    %broadcast_in_dim3A_579 = vector.broadcast %jit3A_578 : f32 to vector<256x1024xf32>
    %select_n3A_580 = arith.select %eq3A_577, %convert_element_type3A, %broadcast_in_dim3A_579 : vector<256x1024xi1>, vector<256x1024xf32>
    %reduce_min3A_581 = arith.constant dense<0x7F800000> : vector<256xf32>
    %reduce_min3A_582 = vector.multi_reduction <minimumf>, %select_n3A_580, %reduce_min3A_581 [1] : vector<256x1024xf32> to vector<256xf32>
    %broadcast_in_dim3A_583 = vector.shape_cast %reduce_min3A_582 : vector<256xf32> to vector<256x1xf32>
    %eq3A_584 = vector.broadcast %broadcast_in_dim3A_583 : vector<256x1xf32> to vector<256x1024xf32>
    %eq3A_585 = arith.cmpf oeq, %select_n3A_580, %eq3A_584 : vector<256x1024xf32>
    %jit3A_586 = arith.constant 0x7F800000 : f32
    %broadcast_in_dim3A_587 = vector.broadcast %jit3A_586 : f32 to vector<256x1024xf32>
    %select_n3A_588 = arith.select %eq3A_585, %broadcast_in_dim3A_587, %get3A_572 : vector<256x1024xi1>, vector<256x1024xf32>
    %swap3A_589 = arith.constant 0 : index
    %swap3A_590 = arith.constant 0 : index
    %swap3A_591 = vector.load %arg8[%swap3A_589, %swap3A_590] : memref<256x1024xf32, #tpu.memory_space<vmem>>, vector<256x1024xf32>
    tpu.vector_store %arg8[%swap3A_589, %swap3A_590], %select_n3A_588 {strides = array<i32>} : memref<256x1024xf32, #tpu.memory_space<vmem>>, vector<256x1024xf32>,
    %jit3A_592 = arith.constant 1.000000e+00 : f32
    %jit3A_593 = arith.constant 0.000000e+00 : f32
    %broadcast_in_dim3A_594 = vector.broadcast %jit3A_592 : f32 to vector<256x1024xf32>
    %broadcast_in_dim3A_595 = vector.broadcast %jit3A_593 : f32 to vector<256x1024xf32>
    %select_n3A_596 = arith.select %eq3A_585, %broadcast_in_dim3A_594, %broadcast_in_dim3A_595 : vector<256x1024xi1>, vector<256x1024xf32>
    %dot_general3A_597 = arith.constant dense<0.000000e+00> : vector<256x16xf32>
    %dot_general3A_598 = tpu.matmul %select_n3A_596, %concatenate3A, %dot_general3A_597 {dimension_numbers = #tpu.dot_dimension_numbers<[1], [0], [0], [1], [0, 0, 1, 1], [], []>, transpose_lhs_hint = false} : vector<256x1024xf32>, vector<1024x16xf32>, vector<256x16xf32> -> vector<256x16xf32>
    %slice3A_599 = vector.extract_strided_slice %dot_general3A_598 {offsets = [0, 0], sizes = [256, 3], strides = [1, 1]} : vector<256x16xf32> to vector<256x3xf32>
    %slice3A_600 = vector.extract_strided_slice %dot_general3A_598 {offsets = [0, 8], sizes = [256, 3], strides = [1, 1]} : vector<256x16xf32> to vector<256x3xf32>
    %add3A_601 = arith.addf %slice3A_599, %slice3A_600 : vector<256x3xf32>
    %swap3A_602 = arith.constant 0 : index
    %swap3A_603 = arith.constant 33 : index
    %swap3A_604 = vector.load %arg9[%swap3A_602, %swap3A_603] : memref<256x48xf32, #tpu.memory_space<vmem>>, vector<256x3xf32>
    tpu.vector_store %arg9[%swap3A_602, %swap3A_603], %add3A_601 {strides = array<i32>} : memref<256x48xf32, #tpu.memory_space<vmem>>, vector<256x3xf32>,
    %convert_element_type3A_605 = arith.fptosi %broadcast_in_dim3A_583 : vector<256x1xf32> to vector<256x1xi32>
    %add3A_606 = arith.constant 0 : i32
    %add3A_607 = arith.addi %arg0, %add3A_606 : i32
    %mul3A_608 = arith.constant 1024 : i32
    %mul3A_609 = arith.muli %add3A_607, %mul3A_608 : i32
    %add3A_610 = vector.broadcast %mul3A_609 : i32 to vector<256x1xi32>
    %add3A_611 = arith.addi %convert_element_type3A_605, %add3A_610 : vector<256x1xi32>
    %swap3A_612 = arith.constant 0 : index
    %swap3A_613 = arith.constant 0 : index
    %swap3A_614 = arith.constant 11 : index
    %swap3A_615 = vector.load %arg7[%swap3A_612, %swap3A_613, %swap3A_614] : memref<1x256x16xi32, #tpu.memory_space<vmem>>, vector<1x256x1xi32>
    %swap3A_616 = vector.shape_cast %swap3A_615 : vector<1x256x1xi32> to vector<256x1xi32>
    %swap3A_617 = vector.shape_cast %add3A_611 : vector<256x1xi32> to vector<1x256x1xi32>
    tpu.vector_store %arg7[%swap3A_612, %swap3A_613, %swap3A_614], %swap3A_617 {strides = array<i32>} : memref<1x256x16xi32, #tpu.memory_space<vmem>>, vector<1x256x1xi32>,
    %get3A_618 = arith.constant 0 : index
    %get3A_619 = arith.constant 0 : index
    %get3A_620 = vector.load %arg8[%get3A_618, %get3A_619] : memref<256x1024xf32, #tpu.memory_space<vmem>>, vector<256x1024xf32>
    %reduce_min3A_621 = arith.constant dense<0x7F800000> : vector<256xf32>
    %reduce_min3A_622 = vector.multi_reduction <minimumf>, %get3A_620, %reduce_min3A_621 [1] : vector<256x1024xf32> to vector<256xf32>
    %broadcast_in_dim3A_623 = vector.shape_cast %reduce_min3A_622 : vector<256xf32> to vector<256x1xf32>
    %eq3A_624 = vector.broadcast %broadcast_in_dim3A_623 : vector<256x1xf32> to vector<256x1024xf32>
    %eq3A_625 = arith.cmpf oeq, %get3A_620, %eq3A_624 : vector<256x1024xf32>
    %jit3A_626 = arith.constant 1.024000e+03 : f32
    %broadcast_in_dim3A_627 = vector.broadcast %jit3A_626 : f32 to vector<256x1024xf32>
    %select_n3A_628 = arith.select %eq3A_625, %convert_element_type3A, %broadcast_in_dim3A_627 : vector<256x1024xi1>, vector<256x1024xf32>
    %reduce_min3A_629 = arith.constant dense<0x7F800000> : vector<256xf32>
    %reduce_min3A_630 = vector.multi_reduction <minimumf>, %select_n3A_628, %reduce_min3A_629 [1] : vector<256x1024xf32> to vector<256xf32>
    %broadcast_in_dim3A_631 = vector.shape_cast %reduce_min3A_630 : vector<256xf32> to vector<256x1xf32>
    %eq3A_632 = vector.broadcast %broadcast_in_dim3A_631 : vector<256x1xf32> to vector<256x1024xf32>
    %eq3A_633 = arith.cmpf oeq, %select_n3A_628, %eq3A_632 : vector<256x1024xf32>
    %jit3A_634 = arith.constant 0x7F800000 : f32
    %broadcast_in_dim3A_635 = vector.broadcast %jit3A_634 : f32 to vector<256x1024xf32>
    %select_n3A_636 = arith.select %eq3A_633, %broadcast_in_dim3A_635, %get3A_620 : vector<256x1024xi1>, vector<256x1024xf32>
    %swap3A_637 = arith.constant 0 : index
    %swap3A_638 = arith.constant 0 : index
    %swap3A_639 = vector.load %arg8[%swap3A_637, %swap3A_638] : memref<256x1024xf32, #tpu.memory_space<vmem>>, vector<256x1024xf32>
    tpu.vector_store %arg8[%swap3A_637, %swap3A_638], %select_n3A_636 {strides = array<i32>} : memref<256x1024xf32, #tpu.memory_space<vmem>>, vector<256x1024xf32>,
    %jit3A_640 = arith.constant 1.000000e+00 : f32
    %jit3A_641 = arith.constant 0.000000e+00 : f32
    %broadcast_in_dim3A_642 = vector.broadcast %jit3A_640 : f32 to vector<256x1024xf32>
    %broadcast_in_dim3A_643 = vector.broadcast %jit3A_641 : f32 to vector<256x1024xf32>
    %select_n3A_644 = arith.select %eq3A_633, %broadcast_in_dim3A_642, %broadcast_in_dim3A_643 : vector<256x1024xi1>, vector<256x1024xf32>
    %dot_general3A_645 = arith.constant dense<0.000000e+00> : vector<256x16xf32>
    %dot_general3A_646 = tpu.matmul %select_n3A_644, %concatenate3A, %dot_general3A_645 {dimension_numbers = #tpu.dot_dimension_numbers<[1], [0], [0], [1], [0, 0, 1, 1], [], []>, transpose_lhs_hint = false} : vector<256x1024xf32>, vector<1024x16xf32>, vector<256x16xf32> -> vector<256x16xf32>
    %slice3A_647 = vector.extract_strided_slice %dot_general3A_646 {offsets = [0, 0], sizes = [256, 3], strides = [1, 1]} : vector<256x16xf32> to vector<256x3xf32>
    %slice3A_648 = vector.extract_strided_slice %dot_general3A_646 {offsets = [0, 8], sizes = [256, 3], strides = [1, 1]} : vector<256x16xf32> to vector<256x3xf32>
    %add3A_649 = arith.addf %slice3A_647, %slice3A_648 : vector<256x3xf32>
    %swap3A_650 = arith.constant 0 : index
    %swap3A_651 = arith.constant 36 : index
    %swap3A_652 = vector.load %arg9[%swap3A_650, %swap3A_651] : memref<256x48xf32, #tpu.memory_space<vmem>>, vector<256x3xf32>
    tpu.vector_store %arg9[%swap3A_650, %swap3A_651], %add3A_649 {strides = array<i32>} : memref<256x48xf32, #tpu.memory_space<vmem>>, vector<256x3xf32>,
    %convert_element_type3A_653 = arith.fptosi %broadcast_in_dim3A_631 : vector<256x1xf32> to vector<256x1xi32>
    %add3A_654 = arith.constant 0 : i32
    %add3A_655 = arith.addi %arg0, %add3A_654 : i32
    %mul3A_656 = arith.constant 1024 : i32
    %mul3A_657 = arith.muli %add3A_655, %mul3A_656 : i32
    %add3A_658 = vector.broadcast %mul3A_657 : i32 to vector<256x1xi32>
    %add3A_659 = arith.addi %convert_element_type3A_653, %add3A_658 : vector<256x1xi32>
    %swap3A_660 = arith.constant 0 : index
    %swap3A_661 = arith.constant 0 : index
    %swap3A_662 = arith.constant 12 : index
    %swap3A_663 = vector.load %arg7[%swap3A_660, %swap3A_661, %swap3A_662] : memref<1x256x16xi32, #tpu.memory_space<vmem>>, vector<1x256x1xi32>
    %swap3A_664 = vector.shape_cast %swap3A_663 : vector<1x256x1xi32> to vector<256x1xi32>
    %swap3A_665 = vector.shape_cast %add3A_659 : vector<256x1xi32> to vector<1x256x1xi32>
    tpu.vector_store %arg7[%swap3A_660, %swap3A_661, %swap3A_662], %swap3A_665 {strides = array<i32>} : memref<1x256x16xi32, #tpu.memory_space<vmem>>, vector<1x256x1xi32>,
    %get3A_666 = arith.constant 0 : index
    %get3A_667 = arith.constant 0 : index
    %get3A_668 = vector.load %arg8[%get3A_666, %get3A_667] : memref<256x1024xf32, #tpu.memory_space<vmem>>, vector<256x1024xf32>
    %reduce_min3A_669 = arith.constant dense<0x7F800000> : vector<256xf32>
    %reduce_min3A_670 = vector.multi_reduction <minimumf>, %get3A_668, %reduce_min3A_669 [1] : vector<256x1024xf32> to vector<256xf32>
    %broadcast_in_dim3A_671 = vector.shape_cast %reduce_min3A_670 : vector<256xf32> to vector<256x1xf32>
    %eq3A_672 = vector.broadcast %broadcast_in_dim3A_671 : vector<256x1xf32> to vector<256x1024xf32>
    %eq3A_673 = arith.cmpf oeq, %get3A_668, %eq3A_672 : vector<256x1024xf32>
    %jit3A_674 = arith.constant 1.024000e+03 : f32
    %broadcast_in_dim3A_675 = vector.broadcast %jit3A_674 : f32 to vector<256x1024xf32>
    %select_n3A_676 = arith.select %eq3A_673, %convert_element_type3A, %broadcast_in_dim3A_675 : vector<256x1024xi1>, vector<256x1024xf32>
    %reduce_min3A_677 = arith.constant dense<0x7F800000> : vector<256xf32>
    %reduce_min3A_678 = vector.multi_reduction <minimumf>, %select_n3A_676, %reduce_min3A_677 [1] : vector<256x1024xf32> to vector<256xf32>
    %broadcast_in_dim3A_679 = vector.shape_cast %reduce_min3A_678 : vector<256xf32> to vector<256x1xf32>
    %eq3A_680 = vector.broadcast %broadcast_in_dim3A_679 : vector<256x1xf32> to vector<256x1024xf32>
    %eq3A_681 = arith.cmpf oeq, %select_n3A_676, %eq3A_680 : vector<256x1024xf32>
    %jit3A_682 = arith.constant 0x7F800000 : f32
    %broadcast_in_dim3A_683 = vector.broadcast %jit3A_682 : f32 to vector<256x1024xf32>
    %select_n3A_684 = arith.select %eq3A_681, %broadcast_in_dim3A_683, %get3A_668 : vector<256x1024xi1>, vector<256x1024xf32>
    %swap3A_685 = arith.constant 0 : index
    %swap3A_686 = arith.constant 0 : index
    %swap3A_687 = vector.load %arg8[%swap3A_685, %swap3A_686] : memref<256x1024xf32, #tpu.memory_space<vmem>>, vector<256x1024xf32>
    tpu.vector_store %arg8[%swap3A_685, %swap3A_686], %select_n3A_684 {strides = array<i32>} : memref<256x1024xf32, #tpu.memory_space<vmem>>, vector<256x1024xf32>,
    %jit3A_688 = arith.constant 1.000000e+00 : f32
    %jit3A_689 = arith.constant 0.000000e+00 : f32
    %broadcast_in_dim3A_690 = vector.broadcast %jit3A_688 : f32 to vector<256x1024xf32>
    %broadcast_in_dim3A_691 = vector.broadcast %jit3A_689 : f32 to vector<256x1024xf32>
    %select_n3A_692 = arith.select %eq3A_681, %broadcast_in_dim3A_690, %broadcast_in_dim3A_691 : vector<256x1024xi1>, vector<256x1024xf32>
    %dot_general3A_693 = arith.constant dense<0.000000e+00> : vector<256x16xf32>
    %dot_general3A_694 = tpu.matmul %select_n3A_692, %concatenate3A, %dot_general3A_693 {dimension_numbers = #tpu.dot_dimension_numbers<[1], [0], [0], [1], [0, 0, 1, 1], [], []>, transpose_lhs_hint = false} : vector<256x1024xf32>, vector<1024x16xf32>, vector<256x16xf32> -> vector<256x16xf32>
    %slice3A_695 = vector.extract_strided_slice %dot_general3A_694 {offsets = [0, 0], sizes = [256, 3], strides = [1, 1]} : vector<256x16xf32> to vector<256x3xf32>
    %slice3A_696 = vector.extract_strided_slice %dot_general3A_694 {offsets = [0, 8], sizes = [256, 3], strides = [1, 1]} : vector<256x16xf32> to vector<256x3xf32>
    %add3A_697 = arith.addf %slice3A_695, %slice3A_696 : vector<256x3xf32>
    %swap3A_698 = arith.constant 0 : index
    %swap3A_699 = arith.constant 39 : index
    %swap3A_700 = vector.load %arg9[%swap3A_698, %swap3A_699] : memref<256x48xf32, #tpu.memory_space<vmem>>, vector<256x3xf32>
    tpu.vector_store %arg9[%swap3A_698, %swap3A_699], %add3A_697 {strides = array<i32>} : memref<256x48xf32, #tpu.memory_space<vmem>>, vector<256x3xf32>,
    %convert_element_type3A_701 = arith.fptosi %broadcast_in_dim3A_679 : vector<256x1xf32> to vector<256x1xi32>
    %add3A_702 = arith.constant 0 : i32
    %add3A_703 = arith.addi %arg0, %add3A_702 : i32
    %mul3A_704 = arith.constant 1024 : i32
    %mul3A_705 = arith.muli %add3A_703, %mul3A_704 : i32
    %add3A_706 = vector.broadcast %mul3A_705 : i32 to vector<256x1xi32>
    %add3A_707 = arith.addi %convert_element_type3A_701, %add3A_706 : vector<256x1xi32>
    %swap3A_708 = arith.constant 0 : index
    %swap3A_709 = arith.constant 0 : index
    %swap3A_710 = arith.constant 13 : index
    %swap3A_711 = vector.load %arg7[%swap3A_708, %swap3A_709, %swap3A_710] : memref<1x256x16xi32, #tpu.memory_space<vmem>>, vector<1x256x1xi32>
    %swap3A_712 = vector.shape_cast %swap3A_711 : vector<1x256x1xi32> to vector<256x1xi32>
    %swap3A_713 = vector.shape_cast %add3A_707 : vector<256x1xi32> to vector<1x256x1xi32>
    tpu.vector_store %arg7[%swap3A_708, %swap3A_709, %swap3A_710], %swap3A_713 {strides = array<i32>} : memref<1x256x16xi32, #tpu.memory_space<vmem>>, vector<1x256x1xi32>,
    %get3A_714 = arith.constant 0 : index
    %get3A_715 = arith.constant 0 : index
    %get3A_716 = vector.load %arg8[%get3A_714, %get3A_715] : memref<256x1024xf32, #tpu.memory_space<vmem>>, vector<256x1024xf32>
    %reduce_min3A_717 = arith.constant dense<0x7F800000> : vector<256xf32>
    %reduce_min3A_718 = vector.multi_reduction <minimumf>, %get3A_716, %reduce_min3A_717 [1] : vector<256x1024xf32> to vector<256xf32>
    %broadcast_in_dim3A_719 = vector.shape_cast %reduce_min3A_718 : vector<256xf32> to vector<256x1xf32>
    %eq3A_720 = vector.broadcast %broadcast_in_dim3A_719 : vector<256x1xf32> to vector<256x1024xf32>
    %eq3A_721 = arith.cmpf oeq, %get3A_716, %eq3A_720 : vector<256x1024xf32>
    %jit3A_722 = arith.constant 1.024000e+03 : f32
    %broadcast_in_dim3A_723 = vector.broadcast %jit3A_722 : f32 to vector<256x1024xf32>
    %select_n3A_724 = arith.select %eq3A_721, %convert_element_type3A, %broadcast_in_dim3A_723 : vector<256x1024xi1>, vector<256x1024xf32>
    %reduce_min3A_725 = arith.constant dense<0x7F800000> : vector<256xf32>
    %reduce_min3A_726 = vector.multi_reduction <minimumf>, %select_n3A_724, %reduce_min3A_725 [1] : vector<256x1024xf32> to vector<256xf32>
    %broadcast_in_dim3A_727 = vector.shape_cast %reduce_min3A_726 : vector<256xf32> to vector<256x1xf32>
    %eq3A_728 = vector.broadcast %broadcast_in_dim3A_727 : vector<256x1xf32> to vector<256x1024xf32>
    %eq3A_729 = arith.cmpf oeq, %select_n3A_724, %eq3A_728 : vector<256x1024xf32>
    %jit3A_730 = arith.constant 0x7F800000 : f32
    %broadcast_in_dim3A_731 = vector.broadcast %jit3A_730 : f32 to vector<256x1024xf32>
    %select_n3A_732 = arith.select %eq3A_729, %broadcast_in_dim3A_731, %get3A_716 : vector<256x1024xi1>, vector<256x1024xf32>
    %swap3A_733 = arith.constant 0 : index
    %swap3A_734 = arith.constant 0 : index
    %swap3A_735 = vector.load %arg8[%swap3A_733, %swap3A_734] : memref<256x1024xf32, #tpu.memory_space<vmem>>, vector<256x1024xf32>
    tpu.vector_store %arg8[%swap3A_733, %swap3A_734], %select_n3A_732 {strides = array<i32>} : memref<256x1024xf32, #tpu.memory_space<vmem>>, vector<256x1024xf32>,
    %jit3A_736 = arith.constant 1.000000e+00 : f32
    %jit3A_737 = arith.constant 0.000000e+00 : f32
    %broadcast_in_dim3A_738 = vector.broadcast %jit3A_736 : f32 to vector<256x1024xf32>
    %broadcast_in_dim3A_739 = vector.broadcast %jit3A_737 : f32 to vector<256x1024xf32>
    %select_n3A_740 = arith.select %eq3A_729, %broadcast_in_dim3A_738, %broadcast_in_dim3A_739 : vector<256x1024xi1>, vector<256x1024xf32>
    %dot_general3A_741 = arith.constant dense<0.000000e+00> : vector<256x16xf32>
    %dot_general3A_742 = tpu.matmul %select_n3A_740, %concatenate3A, %dot_general3A_741 {dimension_numbers = #tpu.dot_dimension_numbers<[1], [0], [0], [1], [0, 0, 1, 1], [], []>, transpose_lhs_hint = false} : vector<256x1024xf32>, vector<1024x16xf32>, vector<256x16xf32> -> vector<256x16xf32>
    %slice3A_743 = vector.extract_strided_slice %dot_general3A_742 {offsets = [0, 0], sizes = [256, 3], strides = [1, 1]} : vector<256x16xf32> to vector<256x3xf32>
    %slice3A_744 = vector.extract_strided_slice %dot_general3A_742 {offsets = [0, 8], sizes = [256, 3], strides = [1, 1]} : vector<256x16xf32> to vector<256x3xf32>
    %add3A_745 = arith.addf %slice3A_743, %slice3A_744 : vector<256x3xf32>
    %swap3A_746 = arith.constant 0 : index
    %swap3A_747 = arith.constant 42 : index
    %swap3A_748 = vector.load %arg9[%swap3A_746, %swap3A_747] : memref<256x48xf32, #tpu.memory_space<vmem>>, vector<256x3xf32>
    tpu.vector_store %arg9[%swap3A_746, %swap3A_747], %add3A_745 {strides = array<i32>} : memref<256x48xf32, #tpu.memory_space<vmem>>, vector<256x3xf32>,
    %convert_element_type3A_749 = arith.fptosi %broadcast_in_dim3A_727 : vector<256x1xf32> to vector<256x1xi32>
    %add3A_750 = arith.constant 0 : i32
    %add3A_751 = arith.addi %arg0, %add3A_750 : i32
    %mul3A_752 = arith.constant 1024 : i32
    %mul3A_753 = arith.muli %add3A_751, %mul3A_752 : i32
    %add3A_754 = vector.broadcast %mul3A_753 : i32 to vector<256x1xi32>
    %add3A_755 = arith.addi %convert_element_type3A_749, %add3A_754 : vector<256x1xi32>
    %swap3A_756 = arith.constant 0 : index
    %swap3A_757 = arith.constant 0 : index
    %swap3A_758 = arith.constant 14 : index
    %swap3A_759 = vector.load %arg7[%swap3A_756, %swap3A_757, %swap3A_758] : memref<1x256x16xi32, #tpu.memory_space<vmem>>, vector<1x256x1xi32>
    %swap3A_760 = vector.shape_cast %swap3A_759 : vector<1x256x1xi32> to vector<256x1xi32>
    %swap3A_761 = vector.shape_cast %add3A_755 : vector<256x1xi32> to vector<1x256x1xi32>
    tpu.vector_store %arg7[%swap3A_756, %swap3A_757, %swap3A_758], %swap3A_761 {strides = array<i32>} : memref<1x256x16xi32, #tpu.memory_space<vmem>>, vector<1x256x1xi32>,
    %get3A_762 = arith.constant 0 : index
    %get3A_763 = arith.constant 0 : index
    %get3A_764 = vector.load %arg8[%get3A_762, %get3A_763] : memref<256x1024xf32, #tpu.memory_space<vmem>>, vector<256x1024xf32>
    %reduce_min3A_765 = arith.constant dense<0x7F800000> : vector<256xf32>
    %reduce_min3A_766 = vector.multi_reduction <minimumf>, %get3A_764, %reduce_min3A_765 [1] : vector<256x1024xf32> to vector<256xf32>
    %broadcast_in_dim3A_767 = vector.shape_cast %reduce_min3A_766 : vector<256xf32> to vector<256x1xf32>
    %eq3A_768 = vector.broadcast %broadcast_in_dim3A_767 : vector<256x1xf32> to vector<256x1024xf32>
    %eq3A_769 = arith.cmpf oeq, %get3A_764, %eq3A_768 : vector<256x1024xf32>
    %jit3A_770 = arith.constant 1.024000e+03 : f32
    %broadcast_in_dim3A_771 = vector.broadcast %jit3A_770 : f32 to vector<256x1024xf32>
    %select_n3A_772 = arith.select %eq3A_769, %convert_element_type3A, %broadcast_in_dim3A_771 : vector<256x1024xi1>, vector<256x1024xf32>
    %reduce_min3A_773 = arith.constant dense<0x7F800000> : vector<256xf32>
    %reduce_min3A_774 = vector.multi_reduction <minimumf>, %select_n3A_772, %reduce_min3A_773 [1] : vector<256x1024xf32> to vector<256xf32>
    %broadcast_in_dim3A_775 = vector.shape_cast %reduce_min3A_774 : vector<256xf32> to vector<256x1xf32>
    %eq3A_776 = vector.broadcast %broadcast_in_dim3A_775 : vector<256x1xf32> to vector<256x1024xf32>
    %eq3A_777 = arith.cmpf oeq, %select_n3A_772, %eq3A_776 : vector<256x1024xf32>
    %jit3A_778 = arith.constant 1.000000e+00 : f32
    %jit3A_779 = arith.constant 0.000000e+00 : f32
    %broadcast_in_dim3A_780 = vector.broadcast %jit3A_778 : f32 to vector<256x1024xf32>
    %broadcast_in_dim3A_781 = vector.broadcast %jit3A_779 : f32 to vector<256x1024xf32>
    %select_n3A_782 = arith.select %eq3A_777, %broadcast_in_dim3A_780, %broadcast_in_dim3A_781 : vector<256x1024xi1>, vector<256x1024xf32>
    %dot_general3A_783 = arith.constant dense<0.000000e+00> : vector<256x16xf32>
    %dot_general3A_784 = tpu.matmul %select_n3A_782, %concatenate3A, %dot_general3A_783 {dimension_numbers = #tpu.dot_dimension_numbers<[1], [0], [0], [1], [0, 0, 1, 1], [], []>, transpose_lhs_hint = false} : vector<256x1024xf32>, vector<1024x16xf32>, vector<256x16xf32> -> vector<256x16xf32>
    %slice3A_785 = vector.extract_strided_slice %dot_general3A_784 {offsets = [0, 0], sizes = [256, 3], strides = [1, 1]} : vector<256x16xf32> to vector<256x3xf32>
    %slice3A_786 = vector.extract_strided_slice %dot_general3A_784 {offsets = [0, 8], sizes = [256, 3], strides = [1, 1]} : vector<256x16xf32> to vector<256x3xf32>
    %add3A_787 = arith.addf %slice3A_785, %slice3A_786 : vector<256x3xf32>
    %swap3A_788 = arith.constant 0 : index
    %swap3A_789 = arith.constant 45 : index
    %swap3A_790 = vector.load %arg9[%swap3A_788, %swap3A_789] : memref<256x48xf32, #tpu.memory_space<vmem>>, vector<256x3xf32>
    tpu.vector_store %arg9[%swap3A_788, %swap3A_789], %add3A_787 {strides = array<i32>} : memref<256x48xf32, #tpu.memory_space<vmem>>, vector<256x3xf32>,
    %convert_element_type3A_791 = arith.fptosi %broadcast_in_dim3A_775 : vector<256x1xf32> to vector<256x1xi32>
    %add3A_792 = arith.constant 0 : i32
    %add3A_793 = arith.addi %arg0, %add3A_792 : i32
    %mul3A_794 = arith.constant 1024 : i32
    %mul3A_795 = arith.muli %add3A_793, %mul3A_794 : i32
    %add3A_796 = vector.broadcast %mul3A_795 : i32 to vector<256x1xi32>
    %add3A_797 = arith.addi %convert_element_type3A_791, %add3A_796 : vector<256x1xi32>
    %swap3A_798 = arith.constant 0 : index
    %swap3A_799 = arith.constant 0 : index
    %swap3A_800 = arith.constant 15 : index
    %swap3A_801 = vector.load %arg7[%swap3A_798, %swap3A_799, %swap3A_800] : memref<1x256x16xi32, #tpu.memory_space<vmem>>, vector<1x256x1xi32>
    %swap3A_802 = vector.shape_cast %swap3A_801 : vector<1x256x1xi32> to vector<256x1xi32>
    %swap3A_803 = vector.shape_cast %add3A_797 : vector<256x1xi32> to vector<1x256x1xi32>
    tpu.vector_store %arg7[%swap3A_798, %swap3A_799, %swap3A_800], %swap3A_803 {strides = array<i32>} : memref<1x256x16xi32, #tpu.memory_space<vmem>>, vector<1x256x1xi32>,
    %iota3A_804 = tpu.iota {dimensions = array<i32: 1>} : vector<256x48xi32>
    %rem3A = arith.constant 3 : i32
    %rem3A_805 = vector.broadcast %rem3A : i32 to vector<256x48xi32>
    %rem3A_806 = arith.remsi %iota3A_804, %rem3A_805 : vector<256x48xi32>
    %eq3A_807 = arith.constant 0 : i32
    %eq3A_808 = vector.broadcast %eq3A_807 : i32 to vector<256x48xi32>
    %eq3A_809 = arith.cmpi eq, %rem3A_806, %eq3A_808 : vector<256x48xi32>
    %eq3A_810 = arith.constant 1 : i32
    %eq3A_811 = vector.broadcast %eq3A_810 : i32 to vector<256x48xi32>
    %eq3A_812 = arith.cmpi eq, %rem3A_806, %eq3A_811 : vector<256x48xi32>
    %broadcast_in_dim3A_813 = vector.shape_cast %get3A_23 : vector<256x1xf32> to vector<256x1xf32>
    %broadcast_in_dim3A_814 = vector.broadcast %broadcast_in_dim3A_813 : vector<256x1xf32> to vector<256x48xf32>
    %broadcast_in_dim3A_815 = vector.shape_cast %get3A_28 : vector<256x1xf32> to vector<256x1xf32>
    %broadcast_in_dim3A_816 = vector.broadcast %broadcast_in_dim3A_815 : vector<256x1xf32> to vector<256x48xf32>
    %select_n3A_817 = arith.select %eq3A_812, %broadcast_in_dim3A_814, %broadcast_in_dim3A_816 : vector<256x48xi1>, vector<256x48xf32>
    %broadcast_in_dim3A_818 = vector.shape_cast %get3A_18 : vector<256x1xf32> to vector<256x1xf32>
    %broadcast_in_dim3A_819 = vector.broadcast %broadcast_in_dim3A_818 : vector<256x1xf32> to vector<256x48xf32>
    %select_n3A_820 = arith.select %eq3A_809, %broadcast_in_dim3A_819, %select_n3A_817 : vector<256x48xi1>, vector<256x48xf32>
    %get3A_821 = arith.constant 0 : index
    %get3A_822 = arith.constant 0 : index
    %get3A_823 = vector.load %arg9[%get3A_821, %get3A_822] : memref<256x48xf32, #tpu.memory_space<vmem>>, vector<256x48xf32>
    %sub3A_824 = arith.subf %get3A_823, %select_n3A_820 : vector<256x48xf32>
    %iota3A_825 = tpu.iota {dimensions = array<i32: 0>} : vector<48x48xi32>
    %iota3A_826 = tpu.iota {dimensions = array<i32: 1>} : vector<48x48xi32>
    %jit3A_827 = arith.constant 3 : i32
    %div3A = vector.broadcast %jit3A_827 : i32 to vector<48x48xi32>
    %div3A_828 = arith.divsi %iota3A_825, %div3A : vector<48x48xi32>
    %sign3A = arith.constant 0 : i32
    %sign3A_829 = vector.broadcast %sign3A : i32 to vector<48x48xi32>
    %sign3A_830 = arith.cmpi sgt, %iota3A_825, %sign3A_829 : vector<48x48xi32>
    %sign3A_831 = arith.extui %sign3A_830 : vector<48x48xi1> to vector<48x48xi32>
    %sign3A_832 = arith.constant 0 : i32
    %sign3A_833 = vector.broadcast %sign3A_832 : i32 to vector<48x48xi32>
    %sign3A_834 = arith.cmpi slt, %iota3A_825, %sign3A_833 : vector<48x48xi32>
    %sign3A_835 = arith.extui %sign3A_834 : vector<48x48xi1> to vector<48x48xi32>
    %sign3A_836 = arith.subi %sign3A_831, %sign3A_835 : vector<48x48xi32>
    %sign3A_837 = arith.constant 0 : i32
    %sign3A_838 = arith.cmpi sgt, %jit3A_827, %sign3A_837 : i32
    %sign3A_839 = arith.extui %sign3A_838 : i1 to i32
    %sign3A_840 = arith.constant 0 : i32
    %sign3A_841 = arith.cmpi slt, %jit3A_827, %sign3A_840 : i32
    %sign3A_842 = arith.extui %sign3A_841 : i1 to i32
    %sign3A_843 = arith.subi %sign3A_839, %sign3A_842 : i32
    %ne3A = vector.broadcast %sign3A_843 : i32 to vector<48x48xi32>
    %ne3A_844 = arith.cmpi ne, %sign3A_836, %ne3A : vector<48x48xi32>
    %rem3A_845 = vector.broadcast %jit3A_827 : i32 to vector<48x48xi32>
    %rem3A_846 = arith.remsi %iota3A_825, %rem3A_845 : vector<48x48xi32>
    %ne3A_847 = arith.constant 0 : i32
    %ne3A_848 = vector.broadcast %ne3A_847 : i32 to vector<48x48xi32>
    %ne3A_849 = arith.cmpi ne, %rem3A_846, %ne3A_848 : vector<48x48xi32>
    %and3A = arith.andi %ne3A_844, %ne3A_849 : vector<48x48xi1>
    %sub3A_850 = arith.constant 1 : i32
    %sub3A_851 = vector.broadcast %sub3A_850 : i32 to vector<48x48xi32>
    %sub3A_852 = arith.subi %div3A_828, %sub3A_851 : vector<48x48xi32>
    %select_n3A_853 = arith.select %and3A, %sub3A_852, %div3A_828 : vector<48x48xi1>, vector<48x48xi32>
    %jit3A_854 = arith.constant 3 : i32
    %div3A_855 = vector.broadcast %jit3A_854 : i32 to vector<48x48xi32>
    %div3A_856 = arith.divsi %iota3A_826, %div3A_855 : vector<48x48xi32>
    %sign3A_857 = arith.constant 0 : i32
    %sign3A_858 = vector.broadcast %sign3A_857 : i32 to vector<48x48xi32>
    %sign3A_859 = arith.cmpi sgt, %iota3A_826, %sign3A_858 : vector<48x48xi32>
    %sign3A_860 = arith.extui %sign3A_859 : vector<48x48xi1> to vector<48x48xi32>
    %sign3A_861 = arith.constant 0 : i32
    %sign3A_862 = vector.broadcast %sign3A_861 : i32 to vector<48x48xi32>
    %sign3A_863 = arith.cmpi slt, %iota3A_826, %sign3A_862 : vector<48x48xi32>
    %sign3A_864 = arith.extui %sign3A_863 : vector<48x48xi1> to vector<48x48xi32>
    %sign3A_865 = arith.subi %sign3A_860, %sign3A_864 : vector<48x48xi32>
    %sign3A_866 = arith.constant 0 : i32
    %sign3A_867 = arith.cmpi sgt, %jit3A_854, %sign3A_866 : i32
    %sign3A_868 = arith.extui %sign3A_867 : i1 to i32
    %sign3A_869 = arith.constant 0 : i32
    %sign3A_870 = arith.cmpi slt, %jit3A_854, %sign3A_869 : i32
    %sign3A_871 = arith.extui %sign3A_870 : i1 to i32
    %sign3A_872 = arith.subi %sign3A_868, %sign3A_871 : i32
    %ne3A_873 = vector.broadcast %sign3A_872 : i32 to vector<48x48xi32>
    %ne3A_874 = arith.cmpi ne, %sign3A_865, %ne3A_873 : vector<48x48xi32>
    %rem3A_875 = vector.broadcast %jit3A_854 : i32 to vector<48x48xi32>
    %rem3A_876 = arith.remsi %iota3A_826, %rem3A_875 : vector<48x48xi32>
    %ne3A_877 = arith.constant 0 : i32
    %ne3A_878 = vector.broadcast %ne3A_877 : i32 to vector<48x48xi32>
    %ne3A_879 = arith.cmpi ne, %rem3A_876, %ne3A_878 : vector<48x48xi32>
    %and3A_880 = arith.andi %ne3A_874, %ne3A_879 : vector<48x48xi1>
    %sub3A_881 = arith.constant 1 : i32
    %sub3A_882 = vector.broadcast %sub3A_881 : i32 to vector<48x48xi32>
    %sub3A_883 = arith.subi %div3A_856, %sub3A_882 : vector<48x48xi32>
    %select_n3A_884 = arith.select %and3A_880, %sub3A_883, %div3A_856 : vector<48x48xi1>, vector<48x48xi32>
    %eq3A_885 = arith.cmpi eq, %select_n3A_853, %select_n3A_884 : vector<48x48xi32>
    %broadcast_in_dim3A_886 = arith.constant 0.000000e+00 : f32
    %broadcast_in_dim3A_887 = vector.broadcast %broadcast_in_dim3A_886 : f32 to vector<256x48xf32>
    %get3A_888 = arith.constant 0 : index
    %get3A_889 = arith.constant 0 : index
    %get3A_890 = arith.constant 0 : index
    %get3A_891 = vector.load %arg5[%get3A_888, %get3A_889, %get3A_890] : memref<1x256x9xf32, #tpu.memory_space<vmem>>, vector<1x256x1xf32>
    %get3A_892 = vector.shape_cast %get3A_891 : vector<1x256x1xf32> to vector<256x1xf32>
    %get3A_893 = arith.constant 0 : index
    %get3A_894 = arith.constant 0 : index
    %get3A_895 = arith.constant 1 : index
    %get3A_896 = vector.load %arg5[%get3A_893, %get3A_894, %get3A_895] : memref<1x256x9xf32, #tpu.memory_space<vmem>>, vector<1x256x1xf32>
    %get3A_897 = vector.shape_cast %get3A_896 : vector<1x256x1xf32> to vector<256x1xf32>
    %get3A_898 = arith.constant 0 : index
    %get3A_899 = arith.constant 0 : index
    %get3A_900 = arith.constant 2 : index
    %get3A_901 = vector.load %arg5[%get3A_898, %get3A_899, %get3A_900] : memref<1x256x9xf32, #tpu.memory_space<vmem>>, vector<1x256x1xf32>
    %get3A_902 = vector.shape_cast %get3A_901 : vector<1x256x1xf32> to vector<256x1xf32>
    %eq3A_903 = arith.constant 0 : i32
    %eq3A_904 = vector.broadcast %eq3A_903 : i32 to vector<256x48xi32>
    %eq3A_905 = arith.cmpi eq, %rem3A_806, %eq3A_904 : vector<256x48xi32>
    %eq3A_906 = arith.constant 1 : i32
    %eq3A_907 = vector.broadcast %eq3A_906 : i32 to vector<256x48xi32>
    %eq3A_908 = arith.cmpi eq, %rem3A_806, %eq3A_907 : vector<256x48xi32>
    %broadcast_in_dim3A_909 = vector.shape_cast %get3A_897 : vector<256x1xf32> to vector<256x1xf32>
    %broadcast_in_dim3A_910 = vector.broadcast %broadcast_in_dim3A_909 : vector<256x1xf32> to vector<256x48xf32>
    %broadcast_in_dim3A_911 = vector.shape_cast %get3A_902 : vector<256x1xf32> to vector<256x1xf32>
    %broadcast_in_dim3A_912 = vector.broadcast %broadcast_in_dim3A_911 : vector<256x1xf32> to vector<256x48xf32>
    %select_n3A_913 = arith.select %eq3A_908, %broadcast_in_dim3A_910, %broadcast_in_dim3A_912 : vector<256x48xi1>, vector<256x48xf32>
    %broadcast_in_dim3A_914 = vector.shape_cast %get3A_892 : vector<256x1xf32> to vector<256x1xf32>
    %broadcast_in_dim3A_915 = vector.broadcast %broadcast_in_dim3A_914 : vector<256x1xf32> to vector<256x48xf32>
    %select_n3A_916 = arith.select %eq3A_905, %broadcast_in_dim3A_915, %select_n3A_913 : vector<256x48xi1>, vector<256x48xf32>
    %mul3A_917 = arith.mulf %sub3A_824, %select_n3A_916 : vector<256x48xf32>
    %convert_element_type3A_918 = arith.truncf %mul3A_917 : vector<256x48xf32> to vector<256x48xbf16>
    %convert_element_type3A_919 = arith.extf %convert_element_type3A_918 : vector<256x48xbf16> to vector<256x48xf32>
    %sub3A_920 = arith.subf %mul3A_917, %convert_element_type3A_919 : vector<256x48xf32>
    %rem3A_921 = arith.constant 3 : i32
    %rem3A_922 = vector.broadcast %rem3A_921 : i32 to vector<48x48xi32>
    %rem3A_923 = arith.remsi %iota3A_826, %rem3A_922 : vector<48x48xi32>
    %eq3A_924 = arith.constant 0 : i32
    %eq3A_925 = vector.broadcast %eq3A_924 : i32 to vector<48x48xi32>
    %eq3A_926 = arith.cmpi eq, %rem3A_923, %eq3A_925 : vector<48x48xi32>
    %and3A_927 = arith.andi %eq3A_885, %eq3A_926 : vector<48x48xi1>
    %jit3A_928 = arith.constant 1.000000e+00 : f32
    %jit3A_929 = arith.constant 0.000000e+00 : f32
    %broadcast_in_dim3A_930 = vector.broadcast %jit3A_928 : f32 to vector<48x48xf32>
    %broadcast_in_dim3A_931 = vector.broadcast %jit3A_929 : f32 to vector<48x48xf32>
    %select_n3A_932 = arith.select %and3A_927, %broadcast_in_dim3A_930, %broadcast_in_dim3A_931 : vector<48x48xi1>, vector<48x48xf32>
    %dot_general3A_933 = arith.constant dense<0.000000e+00> : vector<256x48xf32>
    %dot_general3A_934 = tpu.matmul %convert_element_type3A_919, %select_n3A_932, %dot_general3A_933 {dimension_numbers = #tpu.dot_dimension_numbers<[1], [0], [0], [1], [0, 0, 1, 1], [], []>, transpose_lhs_hint = false} : vector<256x48xf32>, vector<48x48xf32>, vector<256x48xf32> -> vector<256x48xf32>
    %add3A_935 = arith.addf %broadcast_in_dim3A_887, %dot_general3A_934 : vector<256x48xf32>
    %dot_general3A_936 = arith.constant dense<0.000000e+00> : vector<256x48xf32>
    %dot_general3A_937 = tpu.matmul %sub3A_920, %select_n3A_932, %dot_general3A_936 {dimension_numbers = #tpu.dot_dimension_numbers<[1], [0], [0], [1], [0, 0, 1, 1], [], []>, transpose_lhs_hint = false} : vector<256x48xf32>, vector<48x48xf32>, vector<256x48xf32> -> vector<256x48xf32>
    %add3A_938 = arith.addf %add3A_935, %dot_general3A_937 : vector<256x48xf32>
    %get3A_939 = arith.constant 0 : index
    %get3A_940 = arith.constant 0 : index
    %get3A_941 = arith.constant 3 : index
    %get3A_942 = vector.load %arg5[%get3A_939, %get3A_940, %get3A_941] : memref<1x256x9xf32, #tpu.memory_space<vmem>>, vector<1x256x1xf32>
    %get3A_943 = vector.shape_cast %get3A_942 : vector<1x256x1xf32> to vector<256x1xf32>
    %get3A_944 = arith.constant 0 : index
    %get3A_945 = arith.constant 0 : index
    %get3A_946 = arith.constant 4 : index
    %get3A_947 = vector.load %arg5[%get3A_944, %get3A_945, %get3A_946] : memref<1x256x9xf32, #tpu.memory_space<vmem>>, vector<1x256x1xf32>
    %get3A_948 = vector.shape_cast %get3A_947 : vector<1x256x1xf32> to vector<256x1xf32>
    %get3A_949 = arith.constant 0 : index
    %get3A_950 = arith.constant 0 : index
    %get3A_951 = arith.constant 5 : index
    %get3A_952 = vector.load %arg5[%get3A_949, %get3A_950, %get3A_951] : memref<1x256x9xf32, #tpu.memory_space<vmem>>, vector<1x256x1xf32>
    %get3A_953 = vector.shape_cast %get3A_952 : vector<1x256x1xf32> to vector<256x1xf32>
    %eq3A_954 = arith.constant 0 : i32
    %eq3A_955 = vector.broadcast %eq3A_954 : i32 to vector<256x48xi32>
    %eq3A_956 = arith.cmpi eq, %rem3A_806, %eq3A_955 : vector<256x48xi32>
    %eq3A_957 = arith.constant 1 : i32
    %eq3A_958 = vector.broadcast %eq3A_957 : i32 to vector<256x48xi32>
    %eq3A_959 = arith.cmpi eq, %rem3A_806, %eq3A_958 : vector<256x48xi32>
    %broadcast_in_dim3A_960 = vector.shape_cast %get3A_948 : vector<256x1xf32> to vector<256x1xf32>
    %broadcast_in_dim3A_961 = vector.broadcast %broadcast_in_dim3A_960 : vector<256x1xf32> to vector<256x48xf32>
    %broadcast_in_dim3A_962 = vector.shape_cast %get3A_953 : vector<256x1xf32> to vector<256x1xf32>
    %broadcast_in_dim3A_963 = vector.broadcast %broadcast_in_dim3A_962 : vector<256x1xf32> to vector<256x48xf32>
    %select_n3A_964 = arith.select %eq3A_959, %broadcast_in_dim3A_961, %broadcast_in_dim3A_963 : vector<256x48xi1>, vector<256x48xf32>
    %broadcast_in_dim3A_965 = vector.shape_cast %get3A_943 : vector<256x1xf32> to vector<256x1xf32>
    %broadcast_in_dim3A_966 = vector.broadcast %broadcast_in_dim3A_965 : vector<256x1xf32> to vector<256x48xf32>
    %select_n3A_967 = arith.select %eq3A_956, %broadcast_in_dim3A_966, %select_n3A_964 : vector<256x48xi1>, vector<256x48xf32>
    %mul3A_968 = arith.mulf %sub3A_824, %select_n3A_967 : vector<256x48xf32>
    %convert_element_type3A_969 = arith.truncf %mul3A_968 : vector<256x48xf32> to vector<256x48xbf16>
    %convert_element_type3A_970 = arith.extf %convert_element_type3A_969 : vector<256x48xbf16> to vector<256x48xf32>
    %sub3A_971 = arith.subf %mul3A_968, %convert_element_type3A_970 : vector<256x48xf32>
    %rem3A_972 = arith.constant 3 : i32
    %rem3A_973 = vector.broadcast %rem3A_972 : i32 to vector<48x48xi32>
    %rem3A_974 = arith.remsi %iota3A_826, %rem3A_973 : vector<48x48xi32>
    %eq3A_975 = arith.constant 1 : i32
    %eq3A_976 = vector.broadcast %eq3A_975 : i32 to vector<48x48xi32>
    %eq3A_977 = arith.cmpi eq, %rem3A_974, %eq3A_976 : vector<48x48xi32>
    %and3A_978 = arith.andi %eq3A_885, %eq3A_977 : vector<48x48xi1>
    %jit3A_979 = arith.constant 1.000000e+00 : f32
    %jit3A_980 = arith.constant 0.000000e+00 : f32
    %broadcast_in_dim3A_981 = vector.broadcast %jit3A_979 : f32 to vector<48x48xf32>
    %broadcast_in_dim3A_982 = vector.broadcast %jit3A_980 : f32 to vector<48x48xf32>
    %select_n3A_983 = arith.select %and3A_978, %broadcast_in_dim3A_981, %broadcast_in_dim3A_982 : vector<48x48xi1>, vector<48x48xf32>
    %dot_general3A_984 = arith.constant dense<0.000000e+00> : vector<256x48xf32>
    %dot_general3A_985 = tpu.matmul %convert_element_type3A_970, %select_n3A_983, %dot_general3A_984 {dimension_numbers = #tpu.dot_dimension_numbers<[1], [0], [0], [1], [0, 0, 1, 1], [], []>, transpose_lhs_hint = false} : vector<256x48xf32>, vector<48x48xf32>, vector<256x48xf32> -> vector<256x48xf32>
    %add3A_986 = arith.addf %add3A_938, %dot_general3A_985 : vector<256x48xf32>
    %dot_general3A_987 = arith.constant dense<0.000000e+00> : vector<256x48xf32>
    %dot_general3A_988 = tpu.matmul %sub3A_971, %select_n3A_983, %dot_general3A_987 {dimension_numbers = #tpu.dot_dimension_numbers<[1], [0], [0], [1], [0, 0, 1, 1], [], []>, transpose_lhs_hint = false} : vector<256x48xf32>, vector<48x48xf32>, vector<256x48xf32> -> vector<256x48xf32>
    %add3A_989 = arith.addf %add3A_986, %dot_general3A_988 : vector<256x48xf32>
    %get3A_990 = arith.constant 0 : index
    %get3A_991 = arith.constant 0 : index
    %get3A_992 = arith.constant 6 : index
    %get3A_993 = vector.load %arg5[%get3A_990, %get3A_991, %get3A_992] : memref<1x256x9xf32, #tpu.memory_space<vmem>>, vector<1x256x1xf32>
    %get3A_994 = vector.shape_cast %get3A_993 : vector<1x256x1xf32> to vector<256x1xf32>
    %get3A_995 = arith.constant 0 : index
    %get3A_996 = arith.constant 0 : index
    %get3A_997 = arith.constant 7 : index
    %get3A_998 = vector.load %arg5[%get3A_995, %get3A_996, %get3A_997] : memref<1x256x9xf32, #tpu.memory_space<vmem>>, vector<1x256x1xf32>
    %get3A_999 = vector.shape_cast %get3A_998 : vector<1x256x1xf32> to vector<256x1xf32>
    %get3A_1000 = arith.constant 0 : index
    %get3A_1001 = arith.constant 0 : index
    %get3A_1002 = arith.constant 8 : index
    %get3A_1003 = vector.load %arg5[%get3A_1000, %get3A_1001, %get3A_1002] : memref<1x256x9xf32, #tpu.memory_space<vmem>>, vector<1x256x1xf32>
    %get3A_1004 = vector.shape_cast %get3A_1003 : vector<1x256x1xf32> to vector<256x1xf32>
    %eq3A_1005 = arith.constant 0 : i32
    %eq3A_1006 = vector.broadcast %eq3A_1005 : i32 to vector<256x48xi32>
    %eq3A_1007 = arith.cmpi eq, %rem3A_806, %eq3A_1006 : vector<256x48xi32>
    %eq3A_1008 = arith.constant 1 : i32
    %eq3A_1009 = vector.broadcast %eq3A_1008 : i32 to vector<256x48xi32>
    %eq3A_1010 = arith.cmpi eq, %rem3A_806, %eq3A_1009 : vector<256x48xi32>
    %broadcast_in_dim3A_1011 = vector.shape_cast %get3A_999 : vector<256x1xf32> to vector<256x1xf32>
    %broadcast_in_dim3A_1012 = vector.broadcast %broadcast_in_dim3A_1011 : vector<256x1xf32> to vector<256x48xf32>
    %broadcast_in_dim3A_1013 = vector.shape_cast %get3A_1004 : vector<256x1xf32> to vector<256x1xf32>
    %broadcast_in_dim3A_1014 = vector.broadcast %broadcast_in_dim3A_1013 : vector<256x1xf32> to vector<256x48xf32>
    %select_n3A_1015 = arith.select %eq3A_1010, %broadcast_in_dim3A_1012, %broadcast_in_dim3A_1014 : vector<256x48xi1>, vector<256x48xf32>
    %broadcast_in_dim3A_1016 = vector.shape_cast %get3A_994 : vector<256x1xf32> to vector<256x1xf32>
    %broadcast_in_dim3A_1017 = vector.broadcast %broadcast_in_dim3A_1016 : vector<256x1xf32> to vector<256x48xf32>
    %select_n3A_1018 = arith.select %eq3A_1007, %broadcast_in_dim3A_1017, %select_n3A_1015 : vector<256x48xi1>, vector<256x48xf32>
    %mul3A_1019 = arith.mulf %sub3A_824, %select_n3A_1018 : vector<256x48xf32>
    %convert_element_type3A_1020 = arith.truncf %mul3A_1019 : vector<256x48xf32> to vector<256x48xbf16>
    %convert_element_type3A_1021 = arith.extf %convert_element_type3A_1020 : vector<256x48xbf16> to vector<256x48xf32>
    %sub3A_1022 = arith.subf %mul3A_1019, %convert_element_type3A_1021 : vector<256x48xf32>
    %rem3A_1023 = arith.constant 3 : i32
    %rem3A_1024 = vector.broadcast %rem3A_1023 : i32 to vector<48x48xi32>
    %rem3A_1025 = arith.remsi %iota3A_826, %rem3A_1024 : vector<48x48xi32>
    %eq3A_1026 = arith.constant 2 : i32
    %eq3A_1027 = vector.broadcast %eq3A_1026 : i32 to vector<48x48xi32>
    %eq3A_1028 = arith.cmpi eq, %rem3A_1025, %eq3A_1027 : vector<48x48xi32>
    %and3A_1029 = arith.andi %eq3A_885, %eq3A_1028 : vector<48x48xi1>
    %jit3A_1030 = arith.constant 1.000000e+00 : f32
    %jit3A_1031 = arith.constant 0.000000e+00 : f32
    %broadcast_in_dim3A_1032 = vector.broadcast %jit3A_1030 : f32 to vector<48x48xf32>
    %broadcast_in_dim3A_1033 = vector.broadcast %jit3A_1031 : f32 to vector<48x48xf32>
    %select_n3A_1034 = arith.select %and3A_1029, %broadcast_in_dim3A_1032, %broadcast_in_dim3A_1033 : vector<48x48xi1>, vector<48x48xf32>
    %dot_general3A_1035 = arith.constant dense<0.000000e+00> : vector<256x48xf32>
    %dot_general3A_1036 = tpu.matmul %convert_element_type3A_1021, %select_n3A_1034, %dot_general3A_1035 {dimension_numbers = #tpu.dot_dimension_numbers<[1], [0], [0], [1], [0, 0, 1, 1], [], []>, transpose_lhs_hint = false} : vector<256x48xf32>, vector<48x48xf32>, vector<256x48xf32> -> vector<256x48xf32>
    %add3A_1037 = arith.addf %add3A_989, %dot_general3A_1036 : vector<256x48xf32>
    %dot_general3A_1038 = arith.constant dense<0.000000e+00> : vector<256x48xf32>
    %dot_general3A_1039 = tpu.matmul %sub3A_1022, %select_n3A_1034, %dot_general3A_1038 {dimension_numbers = #tpu.dot_dimension_numbers<[1], [0], [0], [1], [0, 0, 1, 1], [], []>, transpose_lhs_hint = false} : vector<256x48xf32>, vector<48x48xf32>, vector<256x48xf32> -> vector<256x48xf32>
    %add3A_1040 = arith.addf %add3A_1037, %dot_general3A_1039 : vector<256x48xf32>
    %swap3A_1041 = arith.constant 0 : index
    %swap3A_1042 = arith.constant 0 : index
    %swap3A_1043 = arith.constant 0 : index
    %swap3A_1044 = vector.load %arg6[%swap3A_1041, %swap3A_1042, %swap3A_1043] : memref<1x256x48xf32, #tpu.memory_space<vmem>>, vector<1x256x48xf32>
    %swap3A_1045 = vector.shape_cast %swap3A_1044 : vector<1x256x48xf32> to vector<256x48xf32>
    %swap3A_1046 = vector.shape_cast %add3A_1040 : vector<256x48xf32> to vector<1x256x48xf32>
    tpu.vector_store %arg6[%swap3A_1041, %swap3A_1042, %swap3A_1043], %swap3A_1046 {strides = array<i32>} : memref<1x256x48xf32, #tpu.memory_space<vmem>>, vector<1x256x48xf32>,
    return
  }
  func.func @transform_0(%arg0: i32, %arg1: i32) -> (i32, i32, i32) {
    %c0_i32 = arith.constant 0 : i32
    %c0_i32_0 = arith.constant 0 : i32
    return %arg0, %arg1, %c0_i32 : i32, i32, i32
  }
  func.func @transform_1(%arg0: i32, %arg1: i32) -> (i32, i32, i32) {
    %c0_i32 = arith.constant 0 : i32
    %c0_i32_0 = arith.constant 0 : i32
    %c0_i32_1 = arith.constant 0 : i32
    return %arg0, %c0_i32, %c0_i32_0 : i32, i32, i32
  }
  func.func @transform_2(%arg0: i32, %arg1: i32) -> (i32, i32, i32) {
    %c0_i32 = arith.constant 0 : i32
    %c0_i32_0 = arith.constant 0 : i32
    %c0_i32_1 = arith.constant 0 : i32
    return %arg0, %c0_i32, %c0_i32_0 : i32, i32, i32
  }
  func.func @transform_3(%arg0: i32, %arg1: i32) -> (i32, i32, i32) {
    %c0_i32 = arith.constant 0 : i32
    %c0_i32_0 = arith.constant 0 : i32
    return %arg0, %arg1, %c0_i32 : i32, i32, i32
  }
  func.func @transform_4(%arg0: i32, %arg1: i32) -> (i32, i32, i32) {
    %c0_i32 = arith.constant 0 : i32
    %c0_i32_0 = arith.constant 0 : i32
    return %arg0, %arg1, %c0_i32 : i32, i32, i32
  }
  func.func @transform_5(%arg0: i32, %arg1: i32) -> (i32, i32, i32) {
    %c0_i32 = arith.constant 0 : i32
    %c0_i32_0 = arith.constant 0 : i32
    return %arg0, %arg1, %c0_i32 : i32, i32, i32
  }
}

</mosaic_0001>

<sc_bundles>
// kernel: kernel.4.cloned.1.call-start
scs
__scs_entry_jumppad:
0x0: {  	(pc) =	sbr.rel $0x88, $3  }
0x1: {  	(tag) =	ssettag $0x0;
	lr =	simm.s32 $0x1  }
0x2: {  	[smem:$0x3F9F] =	sst lr;
	_ =	strace $0xD0000000  }
0x3: {  	_ = 	snop  }
0x4: {  	_ = 	snop  }
0x5: {  	_ = 	snop  }
0x6: {  	_ = 	snop  }
0x7: {  	_ = 	snop  }
__scs_overlays_trampoline_lowered:
0x8: {  	[smem:$0x3FAE] =	sst s0  }
0x9: {  	[smem:$0x3FAF] =	sst s1  }
0xa: {  	[smem:$0x3FB0] =	sst s2  }
0xb: {  	[smem:$0x3FB1] =	sst s3  }
0xc: {  	[smem:$0x3FB2] =	sst s4  }
0xd: {  	[smem:$0x3FB3] =	sst s5  }
0xe: {  	[smem:$0x3FB4] =	sst s6  }
0xf: {  	[smem:$0x3FB5] =	sst s7  }
0x10: {  	[smem:$0x3FB6] =	sst s8  }
0x11: {  	[smem:$0x3FB7] =	sst s9;
	s0 =	simm.s32 @!p0 $0x0  }
0x12: {  	s1 =	sld [smem:$0x3F9D];
	s0 =	simm.s32 @p0 $0x1  }
0x13: {  	[smem:$0x3FB8] =	sst s0;
	s0 =	simm.s32 @!p1 $0x0  }
0x14: {  	s2 =	sld [smem:$0x3F9C];
	s0 =	simm.s32 @p1 $0x1  }
0x15: {  	[smem:$0x3FB9] =	sst s0;
	s0 =	simm.s32 @!p2 $0x0  }
0x16: {  	s3 =	sld [smem:$0x3FDB];
	s0 =	simm.s32 @p2 $0x1  }
0x17: {  	s4 =	simm.s32 $0x1BF5;
	[smem:$0x3FBB] =	sst s0  }
0x18: {  	s0 =	sld [smem:$0x3F9E];
	_ =	swait.ge [sflag:s4], $0x0  }
0x19: {  	s7 =	sld [smem:$0x3F9F]  }
0x1a: {  	s8 =	sadd.s32 $0xFFFFE003, lr  }
0x1b: {  	s9 =	sadd.s32 $0xFFFFFEF7, lr;
	s5 =	simm.s32 $0xFFFFFFFF;
	p2 =	slt.u32 s8, $0xFFFFF086  }
0x1c: {  	p1 =	slt.u32 s9, $0xF7A;
	s5 =	simm.s32 @!p2 $0x0  }
0x1d: {  	s5 =	simm.s32 @p1 $0x1;
	p0 =	seq.s32 s7, s2  }
0x1e: {  	s7 =	smul.u32 @!p0 $0xF7A, s2;
	p2 =	seq.s32 @!p0 s5, $0x0  }
0x1f: {  	s9 =	smul.u32 $0xF7A, s1;
	s8 =	simm.s32 @!p0 $0x1BF5;
	p2 =	por !p2, p0  }
0x20: {  	[sflag:s8] =	ssyncset.s32 @!p0 $0xFFFFF086;
	s6 =	sadd.s32 @!p0 s3, s7;
	s7 =	simm.s32 @!p0 $0x108  }
0x21: {  	s3 =	sadd.s32 s3, s9;
	s6 =	sadd.s32 @!p0 $0x88, s6;
	s7 =	simm.s32 @p2 $0x1082  }
0x22: {  	[simem:s7], [sflag:s8] =	dma.local @!p0 [hbm:s6], $0xF7A  }
0x23: {  	s9 =	sor.u32 $0xD0000000, s2;
	s6 =	simm.s32 $0x108;
	_ =	swait.ge @!p0 [sflag:s8], $0x0  }
0x24: {  	s3 =	sadd.s32 $0x88, s3;
	s6 =	simm.s32 @!p1 $0x1082;
	[sflag:s4] =	ssyncset.s32 $0xFFFFF086  }
0x25: {  	[simem:s6], [sflag:s4] =	dma.local [hbm:s3], $0xF7A  }
0x26: {  	[smem:$0x3F9F] =	sst s1;
	(tag) =	ssettag s2;
	_ =	strace s9  }
0x27: {  	s1 =	sld [smem:$0x3FAF]  }
0x28: {  	s2 =	sld [smem:$0x3FB0]  }
0x29: {  	s4 =	sld [smem:$0x3FB2]  }
0x2a: {  	p0 =	seq.s32 s5, $0x0;
	s5 =	sld [smem:$0x3FB3]  }
0x2b: {  	s6 =	sld [smem:$0x3FB4]  }
0x2c: {  	s7 =	sld [smem:$0x3FB5]  }
0x2d: {  	s3 =	simm.s32 $0x108;
	s8 =	sld [smem:$0x3FB6]  }
0x2e: {  	s3 =	simm.s32 @!p0 $0x1082;
	s9 =	sld [smem:$0x3FB7]  }
0x2f: {  	lr =	sadd.s32 s0, s3;
	s0 =	sld [smem:$0x3FAE]  }
0x30: {  	s3 =	sld [smem:$0x3FB1]  }
0x31: {  	[smem:$0x3FBA] =	sst s10  }
0x32: {  	s10 =	sld [smem:$0x3FB8];
	_ =	sdelay $0x3  }
0x33: {  	p0 =	seq.s32 s10, $0x1;
	s10 =	sld [smem:$0x3FBA];
	_ =	sdelay $0x3  }
0x34: {  	[smem:$0x3FBA] =	sst s10  }
0x35: {  	s10 =	sld [smem:$0x3FB9];
	_ =	sdelay $0x3  }
0x36: {  	p1 =	seq.s32 s10, $0x1;
	s10 =	sld [smem:$0x3FBA];
	_ =	sdelay $0x3  }
0x37: {  	[smem:$0x3FBA] =	sst s10  }
0x38: {  	s10 =	sld [smem:$0x3FBB]  }
0x39: {  	_ = 	snop;
	(pc) =	sbr.ind lr, $3  }
0x3a: {  	_ = 	snop  }
0x3b: {  	_ = 	snop  }
0x3c: {  	p2 =	seq.s32 s10, $0x1;
	s10 =	sld [smem:$0x3FBA]  }
0x3d: {  	_ =	shalt  }
0x3e: {  	_ =	shalt  }
0x3f: {  	_ =	shalt  }
0x40: {  	_ =	shalt  }
0x41: {  	_ =	shalt  }
0x42: {  	_ =	shalt  }
0x43: {  	_ =	shalt  }
0x44: {  	_ =	shalt  }
0x45: {  	_ =	shalt  }
0x46: {  	_ =	shalt  }
0x47: {  	_ =	shalt  }
0x48: {  	_ =	shalt  }
0x49: {  	_ =	shalt  }
0x4a: {  	_ =	shalt  }
0x4b: {  	_ =	shalt  }
0x4c: {  	_ =	shalt  }
0x4d: {  	_ =	shalt  }
0x4e: {  	_ =	shalt  }
0x4f: {  	_ =	shalt  }
0x50: {  	_ =	shalt  }
0x51: {  	_ =	shalt  }
0x52: {  	_ =	shalt  }
0x53: {  	_ =	shalt  }
0x54: {  	_ =	shalt  }
0x55: {  	_ =	shalt  }
0x56: {  	_ =	shalt  }
0x57: {  	_ =	shalt  }
0x58: {  	_ =	shalt  }
0x59: {  	_ =	shalt  }
0x5a: {  	_ =	shalt  }
0x5b: {  	_ =	shalt  }
0x5c: {  	_ =	shalt  }
0x5d: {  	_ =	shalt  }
0x5e: {  	_ =	shalt  }
0x5f: {  	_ =	shalt  }
0x60: {  	_ =	shalt  }
0x61: {  	_ =	shalt  }
0x62: {  	_ =	shalt  }
0x63: {  	_ =	shalt  }
0x64: {  	_ =	shalt  }
0x65: {  	_ =	shalt  }
0x66: {  	_ =	shalt  }
0x67: {  	_ =	shalt  }
0x68: {  	_ =	shalt  }
0x69: {  	_ =	shalt  }
0x6a: {  	_ =	shalt  }
0x6b: {  	_ =	shalt  }
0x6c: {  	_ =	shalt  }
0x6d: {  	_ =	shalt  }
0x6e: {  	_ =	shalt  }
0x6f: {  	_ =	shalt  }
0x70: {  	_ =	shalt  }
0x71: {  	_ =	shalt  }
0x72: {  	_ =	shalt  }
0x73: {  	_ =	shalt  }
0x74: {  	_ =	shalt  }
0x75: {  	_ =	shalt  }
0x76: {  	_ =	shalt  }
0x77: {  	_ =	shalt  }
0x78: {  	_ =	shalt  }
0x79: {  	_ =	shalt  }
0x7a: {  	_ =	shalt  }
0x7b: {  	_ =	shalt  }
0x7c: {  	_ =	shalt  }
0x7d: {  	_ =	shalt  }
0x7e: {  	_ =	shalt  }
0x7f: {  	_ =	shalt  }
0x80: {  	_ =	shalt  }
0x81: {  	_ =	shalt  }
0x82: {  	_ =	shalt  }
0x83: {  	_ =	shalt  }
0x84: {  	_ =	shalt  }
0x85: {  	_ =	shalt  }
0x86: {  	_ =	shalt  }
0x87: {  	_ =	shalt  }
.Lfunc_end0:
.L_simem_size_0:
called_computation.1_lowered:
.L_overlay_start_0:
0x88: {  	s2 =	sld [smem:$0x3FD9]  }
0x89: {  	s3 =	sld [smem:$0x3FFE];
	_ =	sdelay $0x1  }
0x8a: {  	s1 =	srdreg.scid  }
0x8b: {  	s0 =	sand.u32 $0x1, s1  }
0x8c: {  	s17 =	sshll.u32 s0, $0xA;
	s2 =	sadd.s32 s3, s2  }
0x8d: {  	s2 =	sadd.s32 s2, s17  }
0x8e: {  	[smem:$0x3FC6] =	sst s2  }
0x8f: {  	_ = 	snop  }
0x90: {  	s2 =	sld [smem:$0x3FC8]  }
0x91: {  	s18 =	sld [smem:$0x3FD0];
	(tm) =	ssettm $0x1  }
0x92: {  	s4 =	sld [smem:$0x3FFB];
	_ =	sdelay $0x3  }
0x93: {  	_ =	strace s4  }
0x94: {  	s4 =	sld [smem:$0x3FFC];
	_ =	sdelay $0x3  }
0x95: {  	_ =	strace s4  }
0x96: {  	s4 =	sld [smem:$0x3FFD];
	_ =	sdelay $0x3  }
0x97: {  	_ =	strace s4  }
0x98: {  	_ =	strace $0x8FFFFFFF  }
0x99: {  	s19 =	sld [smem:$0x3FDB];
	_ =	sdelay $0x1  }
0x9a: {  	s5 =	simm.s32 $_scs_section_size  }
0x9b: {  	s6 =	simm.s32 $_size__tile_overlayer_lowered;
	s7 =	simm.s32 $_tile_overlayer_lowered  }
0x9c: {  	s22 =	simm.s32 $0x1BFF;
	s21 =	sshll.u32 s7, $0x1;
	s4 =	sadd.s32 s5, s19  }
0x9d: {  	s8 =	simm.s32 $0x0;
	s20 =	sshll.u32 s6, $0x1;
	s6 =	sadd.s32 s21, s4  }
0x9e: {  	[timem:s8], [sflag:s22] =	dma.local [hbm:s6], s20  }
0x9f: {  	_ =	swait.ge [sflag:s22], s20  }
0xa0: {  	s5 =	ssub.s32 $0x0, s20;
	[sflag:s22] =	ssyncset.done $0x0  }
0xa1: {  	[sflag:s22] =	ssyncadd.s32 s5;
	_ =	sdelay $0x1  }
0xa2: {  	s23 =	simm.s32 $0x1B8B  }
0xa3: {  	_ =	swait.ge [sflag:s23], $0x1  }
0xa4: {  	[sflag:s23] =	ssyncset.done $0x0  }
0xa5: {  	s25 =	simm.s32 $0x1B8E;
	s24 =	sld [smem:$0x3FFE];
	[sflag:s23] =	ssyncadd.s32 $0xFFFFFFFF  }
0xa6: {  	s26 =	simm.s32 $execute0_lowered;
	[smem:$0x3FD2] =	sst s25  }
0xa7: {  	s6 =	sshll.u32 s26, $0x1;
	_ =	strace $0x80000046;
	[dreg:$0x1] =	wrdreg $0xFFFFFFFF  }
0xa8: {  	s28 =	simm.s32 $_size_execute0_lowered;
	s4 =	sadd.s32 s4, s6;
	[dreg:$0x0] =	wrdreg $0x0  }
0xa9: {  	s6 =	sshll.u32 s28, $0x1;
	[dreg:$0x2] =	wrdreg s4  }
0xaa: {  	[dreg:$0x3] =	wrdreg s6  }
0xab: {  	[dreg:$0x4] =	wrdreg $0xC0  }
0xac: {  	_ =	task [dreg:s8], $0x5FFFF  }
0xad: {  	[dreg:$0x1] =	wrdreg $0xFFFFFFFF  }
0xae: {  	[dreg:$0x0] =	wrdreg $0x60  }
0xaf: {  	[dreg:$0x2] =	wrdreg s2  }
0xb0: {  	[dreg:$0x3] =	wrdreg s24  }
0xb1: {  	[dreg:$0x4] =	wrdreg s18  }
0xb2: {  	[dreg:$0x5] =	wrdreg $0x9  }
0xb3: {  	_ =	task.clear_ibuf [dreg:s8], $0x6FFFF;
	_ =	strace $0x90000046  }
0xb4: {  	s29 =	simm.s32 $0x9;
	_ =	strace $0x80000048  }
0xb5: {  	_ =	swait.ge [sflag:s29], $0x1  }
0xb6: {  	[sflag:s29] =	ssyncadd.s32 $0xFFFFFFFF  }
0xb7: {  	_ =	strace $0x90000048  }
0xb8: {  	_ =	sfence  }
0xb9: {  	s30 =	sld [smem:$0x0];
	_ =	sdelay $0x2  }
0xba: {  	s31 =	sshll.u32 s1, $0xD;
	s1 =	sshrl.u32 s1, $0x2  }
0xbb: {  	s3 =	sand.u32 $0x4000, s31;
	s1 =	sadd.s32 s1, s30  }
0xbc: {  	s0 =	sor.u32 s3, s0;
	s1 =	sshll.u32 s1, $0x11  }
0xbd: {  	s0 =	sor.u32 s1, s0  }
0xbe: {  	s0 =	sadd.s32 $0x8F2B, s0  }
0xbf: {  	[sflag:s0] =	ssyncadd.remote.s32 $0x1  }
0xc0: {  	_ =	sfence.sel $0xFFFF  }
0xc1: {  	[dreg:$0x0] =	wrdreg $0xFFFFFFFF;
	(pc) =	sbr.abs _section_cstart, $3  }
0xc2: {  	[dreg:$0x1] =	wrdreg $0xFFFFFFFF  }
0xc3: {  	_ =	task.clear_ibuf [dreg:s8], $0x2FFFF;
	_ =	strace $0x9FFFFFFF  }
0xc4: {  	(tm) =	ssettm $0x7FFFFFFF  }
0xc5: {  	_ =	shalt  }
tec
execute0_lowered:
.L_overlay_start_1:
0x0: {  	(tag) =	ssettag $0x1  }
0x1: {  	s2 =	rddreg [dreg:$0x0]  }
0x2: {  	s4 =	rddreg [dreg:$0x1];
	s0 =	srdreg.scid  }
0x3: {  	s5 =	rddreg [dreg:$0x2];
	s1 =	stileid.u32;
	s3 =	simm.s32 $0x0  }
0x4: {  	s11 =	simm.s32 $0x80;
	s12 =	simm.s32 $0x5000;
	s13 =	simm.s32 $0x0  }
0x5: {  	s6 =	sand.u32 $0x1, s0;
	s0 =	rddreg [dreg:$0x3];
	s7 =	sshll.u32 s1, $0x6  }
0x6: {  	[smem:$0x7FF] =	sst s3;
	s30 =	sshll.u32 s1, $0x11;
	s8 =	sshll.u32 s6, $0x5  }
0x7: {  	s29 =	ssub.s32 $0x2, s6;
	_ =	strace $0x80000047;
	s7 =	sor.u32 s8, s7  }
0x8: {  	s31 =	sshll.u32 s6, $0x10;
	s10 =	sshrl.u32 s29, $0x1;
	s9 =	sshll.u32 s7, $0x4  }
0x9: {  	s8 =	ssub.s32 s29, s10;
	s7 =	sshll.u32 s7, $0xB;
	s10 =	simm.s32 $0x1  }
0xa: {  	s4 =	sadd.s32 s9, s4;
	s7 =	sadd.s32 s7, s5;
	s9 =	sadd.s32 s30, s5  }
0xb: {  	s5 =	smax.u32 s8, $0x1;
	s8 =	simm.s32 $0x2;
	s4 =	sadd.s32 $0x21200, s4  }
0xc: {  	s6 =	sadd.s32 $0xF800, s7;
	s7 =	sadd.s32 s31, s9;
	s9 =	simm.s32 $0x1000  }
.LBB2_1:
0xd: {  	[tilespmem:s3], [sflag:$0x2] =	stream.linear.gather [hbm4b:s4+s3], $0x1000, $0x38;
	[tilespmem:$0x9000] =	vst v63  }
0xe: {  	_ =	swait.ge [sflag:s8], $0x1000  }
0xf: {  	[sflag:s8] =	ssyncset.done $0x0  }
0x10: {  	s14 =	simm.s32 $0x10000;
	[sflag:s8] =	ssyncadd.s32 $0xFFFFF000  }
0x11: {  	[tilespmem:s9], [sflag:$0x1] =	stream.indirect.gather [hbm4b:s2+s11], $0x80, s3, s11, $0xb8;
	[tilespmem:$0x9000] =	vst v63  }
0x12: {  	s15 =	simm.s32 $0x0;
	s14 =	sand.u32 $0x10000, s14;
	_ =	swait.ge [sflag:s10], $0x4000  }
0x13: {  	s15 =	sand.u32 $0x10000, s15;
	s14 =	sshrl.u32 s14, $0x2;
	[sflag:s10] =	ssyncset.done $0x0  }
0x14: {  	s31 =	sshrl.u32 s15, $0x2;
	s14 =	sor.u32 $0x1000, s14;
	[sflag:s10] =	ssyncadd.s32 $0xFFFFC000  }
0x15: {  	[tilespmem:s14], [sflag:$0x1] =	stream.indirect.gather [hbm4b:s2+s11], $0x80, s11, s11, $0xb8;
	[tilespmem:$0x9000] =	vst v63  }
0x16: {  	s16 =	smov.u32 s7;
	s14 =	sor.u32 $0x1000, s31  }
0x17: {  	[hbm4b:s7+s3] =	stream.linear.scatter [tilespmem:s14], [sflag:$0x2], $0x4000, $0x38;
	[tilespmem:$0x9000] =	vst v63  }
0x18: {  	s15 =	simm.s32 $0x80;
	s14 =	simm.s32 $0x20000;
	_ =	swait.ge [sflag:s8], $0x4000  }
.LBB2_2:
0x19: {  	[sflag:s8] =	ssyncset.done $0x0  }
0x1a: {  	s15 =	sadd.s32 $0x80, s15;
	s16 =	sadd.s32 $0x800, s16;
	s17 =	smov.u32 s14  }
0x1b: {  	p0 =	sne.s32 s14, $0x1F0000;
	s14 =	sadd.s32 $0x10000, s14;
	[sflag:s8] =	ssyncadd.s32 $0xFFFFC000  }
0x1c: {  	s18 =	sand.u32 $0x10000, s17;
	_ =	swait.ge [sflag:s10], $0x4000  }
0x1d: {  	s17 =	sadd.s32 $0xFFFF0000, s17;
	s18 =	sshrl.u32 s18, $0x2;
	[sflag:s10] =	ssyncset.done $0x0  }
0x1e: {  	s17 =	sand.u32 $0x10000, s17;
	s18 =	sor.u32 $0x1000, s18;
	[sflag:s10] =	ssyncadd.s32 $0xFFFFC000  }
0x1f: {  	[tilespmem:s18], [sflag:$0x1] =	stream.indirect.gather [hbm4b:s2+s11], $0x80, s15, s11, $0xb8;
	[tilespmem:$0x9000] =	vst v63  }
.Ltmp0:
0x20: {  	_ = 	snop;
	(pc) =	sbr.rel @p0 .LBB2_2-.Ltmp0, $4  }
0x21: {  	s17 =	sshrl.u32 s17, $0x2  }
0x22: {  	s17 =	sor.u32 $0x1000, s17  }
0x23: {  	[hbm4b:s16+s3] =	stream.linear.scatter [tilespmem:s17], [sflag:$0x2], $0x4000, $0x38;
	[tilespmem:$0x9000] =	vst v63  }
0x24: {  	_ =	swait.ge [sflag:s8], $0x4000  }
0x25: {  	[sflag:s8] =	ssyncset.done $0x0  }
0x26: {  	[sflag:s8] =	ssyncadd.s32 $0xFFFFC000  }
0x27: {  	s13 =	sadd.s32 $0x1, s13;
	_ =	swait.ge [sflag:s10], $0x4000  }
0x28: {  	p0 =	sne.s32 s13, s5;
	[sflag:s10] =	ssyncset.done $0x0  }
.Ltmp1:
0x29: {  	[sflag:s10] =	ssyncadd.s32 $0xFFFFC000;
	(pc) =	sbr.rel @p0 .LBB2_1-.Ltmp1, $4  }
0x2a: {  	[hbm4b:s6+s3] =	stream.linear.scatter [tilespmem:s12], [sflag:$0x2], $0x4000, $0x38;
	[tilespmem:$0x9000] =	vst v63  }
0x2b: {  	_ =	swait.ge [sflag:s8], $0x4000  }
0x2c: {  	[sflag:s8] =	ssyncset.done $0x0  }
0x2d: {  	[sflag:s8] =	ssyncadd.s32 $0xFFFFC000  }
0x2e: {  	_ =	sfence.sel $0x180000  }
0x2f: {  	[bflag:$0x0] =	sbarrier.arrive $0xFFFF  }
0x30: {  	p0 =	sne.s32 s1, $0x0;
	_ =	strace $0x90000047  }
0x31: {  	s0 =	sadd.s32 @!p0 $0x100000, s0;
	[bflag:$0x2] =	sbarrier.arrive $0xFFFF  }
0x32: {  	[sflag:s0] =	ssyncadd.tile.s32 @!p0 $0x1;
	_ =	shalt  }
.Lfunc_end2:
_tile_overlayer_lowered:
.L_overlay_start_2:
0x33: {  	(tag) =	ssettag $0x2  }
0x34: {  	s0 =	rddreg [dreg:$0x0];
	s2 =	stileid.u32  }
0x35: {  	s1 =	rddreg [dreg:$0x1];
	p0 =	sne.s32 s2, $0x0  }
0x36: {  	s3 =	rddreg [dreg:$0x2];
	[bflag:$0x3] =	sbarrier.arrive $0xFFFF;
	s2 =	simm.s32 @!p0 $0x1C02  }
0x37: {  	[timem:s3], [sflag:s2] =	dma.local @!p0 [hbm:s0], s1  }
0x38: {  	s0 =	simm.s32 @!p0 $0x2  }
0x39: {  	_ =	swait.ge @!p0 [sflag:s0], s1  }
0x3a: {  	s1 =	ssub.s32 @!p0 $0x0, s1;
	[sflag:s0] =	ssyncset.done @!p0 $0x0  }
0x3b: {  	[sflag:s0] =	ssyncadd.s32 @!p0 s1  }
0x3c: {  	[bflag:$0x3] =	sbarrier.arrive $0xFFFF  }
0x3d: {  	_ =	shalt  }

// kernel: sparse-core-data-format-call.cloned.1.call-start
scs
called_computation_lowered:
.L_overlay_start_0:
0x0: {  	s2 =	sld [smem:$0x3FD9]  }
0x1: {  	s3 =	sld [smem:$0x3FFE];
	_ =	sdelay $0x1  }
0x2: {  	s1 =	srdreg.scid  }
0x3: {  	s0 =	sand.u32 $0x1, s1  }
0x4: {  	s18 =	sshll.u32 s0, $0xA;
	s2 =	sadd.s32 s3, s2  }
0x5: {  	s2 =	sadd.s32 s2, s18  }
0x6: {  	[smem:$0x3FC6] =	sst s2  }
0x7: {  	_ = 	snop  }
0x8: {  	s2 =	sld [smem:$0x3FD0];
	(tm) =	ssettm $0x1  }
0x9: {  	s19 =	sld [smem:$0x3FFB];
	_ =	sdelay $0x3  }
0xa: {  	_ =	strace s19  }
0xb: {  	s3 =	sld [smem:$0x3FFC];
	_ =	sdelay $0x3  }
0xc: {  	_ =	strace s3  }
0xd: {  	s3 =	sld [smem:$0x3FFD];
	_ =	sdelay $0x3  }
0xe: {  	_ =	strace s3  }
0xf: {  	_ =	strace $0x8FFFFFFF  }
0x10: {  	s20 =	sld [smem:$0x3FDB];
	_ =	sdelay $0x1  }
0x11: {  	s4 =	simm.s32 $_scs_section_size  }
0x12: {  	s5 =	simm.s32 $_size__tile_overlayer_lowered;
	s6 =	simm.s32 $_tile_overlayer_lowered  }
0x13: {  	s23 =	simm.s32 $0x1BFF;
	s22 =	sshll.u32 s6, $0x1;
	s3 =	sadd.s32 s4, s20  }
0x14: {  	s7 =	simm.s32 $0x0;
	s21 =	sshll.u32 s5, $0x1;
	s5 =	sadd.s32 s22, s3  }
0x15: {  	[timem:s7], [sflag:s23] =	dma.local [hbm:s5], s21  }
0x16: {  	_ =	swait.ge [sflag:s23], s21  }
0x17: {  	s4 =	ssub.s32 $0x0, s21;
	[sflag:s23] =	ssyncset.done $0x0  }
0x18: {  	[sflag:s23] =	ssyncadd.s32 s4;
	_ =	sdelay $0x1  }
0x19: {  	s24 =	simm.s32 $0x1B8B  }
0x1a: {  	_ =	swait.ge [sflag:s24], $0x1  }
0x1b: {  	[sflag:s24] =	ssyncset.done $0x0  }
0x1c: {  	s26 =	simm.s32 $0x1B8E;
	s25 =	sld [smem:$0x3FFE];
	[sflag:s24] =	ssyncadd.s32 $0xFFFFFFFF  }
0x1d: {  	s27 =	simm.s32 $execute0_lowered;
	[smem:$0x3FD2] =	sst s26  }
0x1e: {  	s5 =	sshll.u32 s27, $0x1;
	_ =	strace $0x80000049;
	[dreg:$0x1] =	wrdreg $0xFFFFFFFF  }
0x1f: {  	s28 =	simm.s32 $_size_execute0_lowered;
	s3 =	sadd.s32 s3, s5;
	[dreg:$0x0] =	wrdreg $0x0  }
0x20: {  	s5 =	sshll.u32 s28, $0x1;
	[dreg:$0x2] =	wrdreg s3  }
0x21: {  	[dreg:$0x3] =	wrdreg s5  }
0x22: {  	[dreg:$0x4] =	wrdreg $0xC0  }
0x23: {  	_ =	task [dreg:s7], $0x5FFFF  }
0x24: {  	[dreg:$0x1] =	wrdreg $0xFFFFFFFF  }
0x25: {  	[dreg:$0x0] =	wrdreg $0x60  }
0x26: {  	[dreg:$0x2] =	wrdreg s2  }
0x27: {  	[dreg:$0x3] =	wrdreg s25  }
0x28: {  	[dreg:$0x4] =	wrdreg $0x9  }
0x29: {  	_ =	task.clear_ibuf [dreg:s7], $0x5FFFF;
	_ =	strace $0x90000049  }
0x2a: {  	s29 =	simm.s32 $0x9;
	_ =	strace $0x8000004B  }
0x2b: {  	_ =	swait.ge [sflag:s29], $0x1  }
0x2c: {  	[sflag:s29] =	ssyncadd.s32 $0xFFFFFFFF  }
0x2d: {  	_ =	strace $0x9000004B  }
0x2e: {  	_ =	sfence  }
0x2f: {  	s30 =	sld [smem:$0x0];
	_ =	sdelay $0x2  }
0x30: {  	s31 =	sshll.u32 s1, $0xD;
	s1 =	sshrl.u32 s1, $0x2  }
0x31: {  	s3 =	sand.u32 $0x4000, s31;
	s1 =	sadd.s32 s1, s30  }
0x32: {  	s0 =	sor.u32 s3, s0;
	s1 =	sshll.u32 s1, $0x11  }
0x33: {  	s0 =	sor.u32 s1, s0  }
0x34: {  	s0 =	sadd.s32 $0x8F2B, s0  }
0x35: {  	[sflag:s0] =	ssyncadd.remote.s32 $0x1  }
0x36: {  	_ =	sfence.sel $0xFFFF  }
0x37: {  	[dreg:$0x0] =	wrdreg $0xFFFFFFFF;
	(pc) =	sbr.abs _section_cstart, $3  }
0x38: {  	[dreg:$0x1] =	wrdreg $0xFFFFFFFF  }
0x39: {  	_ =	task.clear_ibuf [dreg:s7], $0x2FFFF;
	_ =	strace $0x9FFFFFFF  }
0x3a: {  	(tm) =	ssettm $0x7FFFFFFF  }
0x3b: {  	_ =	shalt  }
tec
execute0_lowered:
.L_overlay_start_1:
0x0: {  	(tag) =	ssettag $0x1  }
0x1: {  	s0 =	stileid.u32;
	s1 =	srdreg.scid  }
0x2: {  	s4 =	rddreg [dreg:$0x1];
	s7 =	simm.s32 $0x1;
	s31 =	simm.s32 $0x2  }
0x3: {  	s16 =	simm.s32 $0x0;
	s2 =	sshll.u32 s0, $0x4;
	s1 =	sshll.u32 s1, $0x8  }
0x4: {  	s9 =	simm.s32 $0x4000;
	s14 =	simm.s32 $0x0;
	s1 =	sor.u32 s2, s1  }
0x5: {  	s15 =	simm.s32 $0x0;
	s10 =	simm.s32 $0x0;
	s3 =	sand.u32 $0x180, s1  }
0x6: {  	s13 =	simm.s32 $0x0;
	s2 =	rddreg [dreg:$0x0];
	s5 =	ssub.s32 $0x400, s3  }
0x7: {  	s4 =	sadd.s32 $0x21200, s4;
	s1 =	rddreg [dreg:$0x2];
	s6 =	sand.u32 $0x180, s5  }
.Ltmp0:
0x8: {  	_ =	strace $0x8000004A;
	p0 =	sne.s32 s6, $0x0;
	(pc) =	sbr.rel .LBB1_1-.Ltmp0, $4  }
0x9: {  	s11 =	smov.u32 s3;
	s8 =	sshrl.u32 s5, $0x9;
	s7 =	simm.s32 @!p0 $0x0  }
0xa: {  	s5 =	sand.u32 $0x7, s0;
	s6 =	simm.s32 $0x1;
	s7 =	sadd.s32 s7, s8  }
0xb: {  	s12 =	smov.u32 s5;
	[sflag:s6] =	ssyncpa.u1 $0x0;
	s7 =	sshll.u32 s7, $0x4  }
0xc: {  	p0 =	por $0x0, $0x0;
	[sflag:s31] =	ssyncpa.u1 $0x0;
	s8 =	sor.u32 $0x1, s7  }
.LBB1_4:
0xd: {  	v5 =	vld [tilespmem:s20+$0xFFFFFFD0];
	[tilespmem:s19+$0x2040 ss:$0x81] =	vst.msk $0xffff, v1  }
0xe: {  	v58 =	vld [tilespmem:s20+$0xFFFFFFE0];
	[tilespmem:s19+$0x2850 ss:$0x81] =	vst.msk $0xffff, v2  }
0xf: {  	s21 =	sshra.s32 s21, $0x2;
	v59 =	vld [tilespmem:s20+$0xFFFFFFF0];
	[tilespmem:s19+$0x3060 ss:$0x81] =	vst.msk $0xffff, v3  }
0x10: {  	v60 =	vld [tilespmem:s20+$0x0];
	[tilespmem:s19+$0x0 ss:$0x81] =	vst.msk $0xffff, v0;
	s18 =	sadd.s32 s21, s18  }
0x11: {  	v61 =	vld [tilespmem:s20+$0x10];
	[tilespmem:s18+$0x3870 ss:$0x81] =	vst.msk $0xffff, v4  }
0x12: {  	v62 =	vld [tilespmem:s20+$0x20];
	s26 =	sshll.u32 s16, $0xA;
	s27 =	sshll.u32 s14, $0x3;
	[tilespmem:s18+$0x810 ss:$0x81] =	vst.msk $0xffff, v5  }
0x13: {  	v63 =	vld [tilespmem:s20+$0xFFFFFFC0];
	s29 =	sshll.u32 s16, $0x7;
	s30 =	sand.u32 $0x78, s14;
	s15 =	sshll.u32 s15, $0x12;
	[tilespmem:s18+$0x1020 ss:$0x81] =	vst.msk $0xffff, v58  }
0x14: {  	s19 =	sand.u32 $0x2000, s26;
	s28 =	sand.u32 $0x3C00, s27;
	s16 =	sand.u32 $0x380, s29;
	[tilespmem:s18+$0x1830 ss:$0x81] =	vst.msk $0xffff, v59  }
0x15: {  	s31 =	sand.u32 $0x7, s14;
	s19 =	sadd.s32 s28, s19;
	s16 =	sor.u32 s30, s16;
	[tilespmem:s18+$0x2040 ss:$0x81] =	vst.msk $0xffff, v60  }
0x16: {  	s15 =	sadd.s32 s4, s15;
	s19 =	sshrl.u32 s19, $0x3;
	s16 =	sshrl.u32 s16, $0x3;
	[tilespmem:s18+$0x2850 ss:$0x81] =	vst.msk $0xffff, v61  }
0x17: {  	s14 =	sshll.u32 s31, $0x12;
	s19 =	sand.u32 $0x780, s19;
	s15 =	sadd.s32 s16, s15;
	[tilespmem:s18+$0x3060 ss:$0x81] =	vst.msk $0xffff, v62  }
0x18: {  	s14 =	sor.u32 $0x80, s14;
	[tilespmem:s18+$0x0 ss:$0x81] =	vst.msk $0xffff, v63;
	s15 =	sadd.s32 s19, s15  }
0x19: {  	[hbm4b:s15+s14] =	stream.strided.scatter [tilespmem:s17], [sflag:$0x2], $0x4000, s9, s14, $0x20;
	[tilespmem:$0x10100] =	vst v63  }
.LBB1_5:
0x1a: {  	s17 =	sadd.s32 $0x1, s10  }
0x1b: {  	s14 =	sadd.s32 $0x200, s11;
	s18 =	smov.u32 s11;
	p2 =	sgt.s32 s17, $0xF  }
0x1c: {  	s18 =	smov.u32 @p2 s14  }
0x1d: {  	s20 =	smov.u32 s12;
	s14 =	sadd.s32 $0x8, s12;
	p3 =	sgt.s32 s18, $0x3FF  }
0x1e: {  	s20 =	smov.u32 @p3 s14  }
0x1f: {  	s17 =	simm.s32 @p2 $0x0;
	p2 =	sgt.s32 s20, $0x7  }
0x20: {  	p1 =	slt.u32 s13, $0x2;
	s20 =	smov.u32 @p2 s5;
	p2 =	sne.s32 s13, s8  }
.Ltmp1:
0x21: {  	s19 =	simm.s32 @!p1 $0x2;
	(pc) =	sbr.rel @!p2 .LBB1_6-.Ltmp1, $4  }
0x22: {  	s16 =	smov.u32 s10;
	s15 =	smov.u32 s12;
	_ =	swait.ge @!p1 [sflag:s19], $0x4000  }
0x23: {  	p0 =	por !p0, !p0;
	[sflag:s19] =	ssyncset.done @!p1 $0x0;
	s10 =	smov.u32 s17  }
0x24: {  	s18 =	smov.u32 @p3 s3;
	s14 =	smov.u32 s11;
	[sflag:s19] =	ssyncadd.s32 @!p1 $0xFFFFC000  }
0x25: {  	s11 =	smov.u32 s18;
	s13 =	sadd.s32 $0x1, s13;
	s12 =	smov.u32 s20  }
.LBB1_1:
0x26: {  	p1 =	sge.u32 s13, s7;
	s31 =	sadd.s32 $0xFFFFFFFF, s13  }
0x27: {  	s17 =	sxor.u32 @!p1 $0xFFFFFFFF, s13;
	s18 =	sshll.u32 @!p1 s12, $0x12;
	s19 =	sshll.u32 @!p1 s11, $0x8  }
0x28: {  	s20 =	sshll.u32 @!p1 s10, $0x4;
	s17 =	sshll.u32 @!p1 s17, $0xE;
	s18 =	sadd.s32 @!p1 s2, s18  }
0x29: {  	s20 =	sand.u32 @!p1 $0xF0, s20;
	s17 =	sand.u32 @!p1 $0x4000, s17;
	s18 =	sadd.s32 @!p1 s19, s18  }
0x2a: {  	s19 =	simm.s32 @!p1 $0x80;
	s18 =	sadd.s32 @!p1 s20, s18;
	s20 =	simm.s32 @!p1 $0x800  }
0x2b: {  	[tilespmem:s17], [sflag:$0x1] =	stream.strided.gather @!p1 [hbm4b:s18+s19], $0x4000, s20, s19, $0x38;
	[tilespmem:$0x10100] =	vst v63  }
0x2c: {  	p1 =	sge.u32 s31, s7  }
.Ltmp2:
0x2d: {  	_ = 	snop;
	(pc) =	sbr.rel @p1 .LBB1_5-.Ltmp2, $1  }
0x2e: {  	_ =	sdelay $0x3  }
0x2f: {  	s17 =	simm.s32 $0x1  }
0x30: {  	_ =	swait.ge [sflag:s6], $0x4000;
	s17 =	simm.s32 @!p0 $0x0  }
0x31: {  	[sflag:s6] =	ssyncset.done $0x0;
	s18 =	sshll.u32 s17, $0xE  }
0x32: {  	[sflag:s6] =	ssyncadd.s32 $0xFFFFC000;
	s20 =	sor.u32 $0x40, s18  }
0x33: {  	s17 =	smul.u32 $0x10200, s17;
	v0 =	vld [tilespmem:s20+$0x30]  }
0x34: {  	v3 =	vld [tilespmem:s20+$0xFFFFFFD0]  }
0x35: {  	s17 =	sshrl.u32 s17, $0x2;
	v4 =	vld [tilespmem:s20+$0xFFFFFFE0]  }
0x36: {  	v5 =	vld [tilespmem:s20+$0xFFFFFFF0];
	s18 =	sor.u32 $0x8000, s17  }
0x37: {  	s31 =	sand.u32 $0x1, s13;
	v1 =	vld [tilespmem:s20+$0x0];
	s19 =	sadd.s32 $0x0, s18  }
0x38: {  	v2 =	vld [tilespmem:s20+$0x10];
	s17 =	smul.u32 $0x10200, s31;
	[tilespmem:s19+$0x3870 ss:$0x81] =	vst.msk $0xffff, v0  }
0x39: {  	[tilespmem:s19+$0x810 ss:$0x81] =	vst.msk $0xffff, v3;
	v3 =	vld [tilespmem:s20+$0x20]  }
0x3a: {  	s17 =	sshrl.u32 s17, $0x2;
	v0 =	vld [tilespmem:s20+$0xFFFFFFC0];
	[tilespmem:s19+$0x1020 ss:$0x81] =	vst.msk $0xffff, v4;
	s20 =	sadd.s32 $0x80, s20  }
0x3b: {  	s21 =	simm.s32 $0x4;
	s22 =	simm.s32 $0x8;
	s17 =	sor.u32 $0x8000, s17;
	[tilespmem:s19+$0x1830 ss:$0x81] =	vst.msk $0xffff, v5;
	v4 =	vld [tilespmem:s20+$0x30]  }
.LBB1_3:
0x3c: {  	p1 =	sne.s32 s22, $0x1FC;
	v5 =	vld [tilespmem:s20+$0xFFFFFFD0];
	[tilespmem:s19+$0x2040 ss:$0x81] =	vst.msk $0xffff, v1  }
0x3d: {  	v6 =	vld [tilespmem:s20+$0xFFFFFFE0];
	[tilespmem:s19+$0x2850 ss:$0x81] =	vst.msk $0xffff, v2  }
0x3e: {  	s23 =	sshra.s32 s21, $0x2;
	s21 =	smov.u32 s22;
	v7 =	vld [tilespmem:s20+$0xFFFFFFF0];
	[tilespmem:s19+$0x3060 ss:$0x81] =	vst.msk $0xffff, v3  }
.Ltmp3:
0x3f: {  	v1 =	vld [tilespmem:s20+$0x0];
	[tilespmem:s19+$0x0 ss:$0x81] =	vst.msk $0xffff, v0;
	s19 =	sadd.s32 s23, s18;
	(pc) =	sbr.rel @p1 .LBB1_3-.Ltmp3, $4  }
0x40: {  	v2 =	vld [tilespmem:s20+$0x10];
	[tilespmem:s19+$0x3870 ss:$0x81] =	vst.msk $0xffff, v4  }
0x41: {  	[tilespmem:s19+$0x810 ss:$0x81] =	vst.msk $0xffff, v5;
	v3 =	vld [tilespmem:s20+$0x20]  }
0x42: {  	v0 =	vld [tilespmem:s20+$0xFFFFFFC0];
	[tilespmem:s19+$0x1020 ss:$0x81] =	vst.msk $0xffff, v6;
	s20 =	sadd.s32 $0x80, s20  }
0x43: {  	s22 =	sadd.s32 $0x4, s22;
	v4 =	vld [tilespmem:s20+$0x30];
	[tilespmem:s19+$0x1830 ss:$0x81] =	vst.msk $0xffff, v7  }
.Ltmp4:
0x44: {  	_ = 	snop;
	(pc) =	sbr.rel .LBB1_4-.Ltmp4, $1  }
0x45: {  	_ =	sdelay $0x3  }
.LBB1_6:
0x46: {  	_ =	sfence.sel $0x180000  }
0x47: {  	s2 =	simm.s32 $0x1;
	[bflag:$0x0] =	sbarrier.arrive $0xFFFF  }
0x48: {  	s31 =	simm.s32 $0x2;
	[sflag:s2] =	ssyncpa.u1 $0x1  }
0x49: {  	[sflag:s31] =	ssyncpa.u1 $0x1  }
0x4a: {  	p0 =	sne.s32 s0, $0x0;
	_ =	strace $0x9000004A  }
0x4b: {  	s0 =	sadd.s32 @!p0 $0x100000, s1;
	[bflag:$0x2] =	sbarrier.arrive $0xFFFF  }
0x4c: {  	[sflag:s0] =	ssyncadd.tile.s32 @!p0 $0x1;
	_ =	shalt  }
.Lfunc_end1:
_tile_overlayer_lowered:
.L_overlay_start_2:
0x4d: {  	(tag) =	ssettag $0x2  }
0x4e: {  	s0 =	rddreg [dreg:$0x0];
	s2 =	stileid.u32  }
0x4f: {  	s1 =	rddreg [dreg:$0x1];
	p0 =	sne.s32 s2, $0x0  }
0x50: {  	s3 =	rddreg [dreg:$0x2];
	[bflag:$0x3] =	sbarrier.arrive $0xFFFF;
	s2 =	simm.s32 @!p0 $0x1C01  }
0x51: {  	[timem:s3], [sflag:s2] =	dma.local @!p0 [hbm:s0], s1  }
0x52: {  	s0 =	simm.s32 @!p0 $0x1  }
0x53: {  	_ =	swait.ge @!p0 [sflag:s0], s1  }
0x54: {  	s1 =	ssub.s32 @!p0 $0x0, s1;
	[sflag:s0] =	ssyncset.done @!p0 $0x0  }
0x55: {  	[sflag:s0] =	ssyncadd.s32 @!p0 s1  }
0x56: {  	[bflag:$0x3] =	sbarrier.arrive $0xFFFF  }
0x57: {  	_ =	shalt  }

</sc_bundles>
